<compile_context>
chip_gen: v7x
topology: tpu7x:2x2x1
jax: 0.10.2.dev20260603
libtpu: 0.0.44.dev20260713+nightly
codegen_flags: <defaults>
</compile_context>

<pallas_src>
import functools

import jax
import jax.numpy as jnp
from jax import lax
from jax.experimental import pallas as pl
from jax.experimental.pallas import tpu as pltpu
from jax.experimental.pallas import tpu_sc as plsc

N_VOCAB = 1000000
N_H = 64
BATCH = 4096
SEQ = 50

_info = plsc.get_sparse_core_info()
NC, NS = _info.num_cores, _info.num_subcores
NW = NC * NS
TOTAL = BATCH * SEQ
BPW = TOTAL // NW
CW = 800
NSTEP = BPW // CW

_mesh = plsc.VectorSubcoreMesh(core_axis_name="c", subcore_axis_name="s")


@functools.partial(
    pl.kernel,
    mesh=_mesh,
    out_type=jax.ShapeDtypeStruct((TOTAL, N_H), jnp.float32),
    scratch_types=[
        pltpu.VMEM((BPW,), jnp.int32),
        pltpu.VMEM((CW, N_H), jnp.float32),
        pltpu.VMEM((CW, N_H), jnp.float32),
        pltpu.SemaphoreType.DMA,
        pltpu.SemaphoreType.DMA,
        pltpu.SemaphoreType.DMA,
        pltpu.SemaphoreType.DMA,
    ],
    compiler_params=pltpu.CompilerParams(use_tc_tiling_on_sc=False),
)
def _gather_kernel(table_hbm, idx_hbm, out_hbm, idx_v, rows_a, rows_b,
                   gsem_a, gsem_b, ssem_a, ssem_b):
    wid = lax.axis_index("s") * NC + lax.axis_index("c")
    base = wid * BPW
    rows = (rows_a, rows_b)
    gsem = (gsem_a, gsem_b)
    ssem = (ssem_a, ssem_b)

    pltpu.sync_copy(idx_hbm.at[pl.ds(base, BPW)], idx_v)

    def offs(j):
        return idx_v.at[pl.ds(j * CW, CW)]

    pltpu.async_copy(table_hbm.at[offs(0)], rows[0], gsem[0])

    for j in range(NSTEP):
        b = j & 1
        o = 1 - b
        pltpu.make_async_copy(table_hbm.at[offs(j)], rows[b], gsem[b]).wait()
        if j + 1 < NSTEP:
            if j >= 1:
                pltpu.make_async_copy(rows[o], out_hbm.at[pl.ds(base, CW)],
                                      ssem[o]).wait()
            pltpu.async_copy(table_hbm.at[offs(j + 1)], rows[o], gsem[o])
        pltpu.async_copy(rows[b], out_hbm.at[pl.ds(base + j * CW, CW)],
                         ssem[b])

    pltpu.make_async_copy(rows[0], out_hbm.at[pl.ds(base, CW)],
                          ssem[0]).wait()
    pltpu.make_async_copy(rows[1], out_hbm.at[pl.ds(base, CW)],
                          ssem[1]).wait()


_TBLK = 4096
_TGRID = 245
_TAIL = 512
_TAIL2 = N_VOCAB - (_TGRID - 1) * _TBLK - _TAIL


def _transpose_body(in_hbm, tail_ref, out_ref, vin0, vin1, sem0, sem1):
    i = pl.program_id(0)

    def start(k, vin, sem):
        @pl.when(k < _TGRID - 1)
        def _():
            off = pl.multiple_of(k * _TBLK, 128)
            pltpu.make_async_copy(in_hbm.at[:, pl.ds(off, _TBLK)], vin,
                                  sem).start()

        @pl.when(k == _TGRID - 1)
        def _():
            pltpu.make_async_copy(
                in_hbm.at[:, pl.ds((_TGRID - 1) * _TBLK, _TAIL)],
                vin.at[:, pl.ds(0, _TAIL)], sem).start()

    def finish(k, vin, sem):
        @pl.when(k < _TGRID - 1)
        def _():
            pltpu.make_async_copy(in_hbm.at[:, pl.ds(0, _TBLK)], vin,
                                  sem).wait()
            x = vin[...]
            h = _TBLK // 2
            z = jnp.concatenate([x[:, :h], x[:, h:]], axis=0)
            out_ref[...] = z.T

        @pl.when(k == _TGRID - 1)
        def _():
            pltpu.make_async_copy(in_hbm.at[:, pl.ds(0, _TAIL)],
                                  vin.at[:, pl.ds(0, _TAIL)], sem).wait()
            xt = jnp.concatenate([vin[:, :_TAIL], tail_ref[...]], axis=1)
            ht = (_TAIL + _TAIL2) // 2
            zt = jnp.concatenate([xt[:, :ht], xt[:, ht:]], axis=0)
            out_ref[pl.ds(0, ht)] = zt.T

    @pl.when(i == 0)
    def _():
        start(i, vin0, sem0)

    even = lax.rem(i, 2) == 0

    @pl.when((i + 1 < _TGRID) & even)
    def _():
        start(i + 1, vin1, sem1)

    @pl.when((i + 1 < _TGRID) & jnp.logical_not(even))
    def _():
        start(i + 1, vin0, sem0)

    @pl.when(even)
    def _():
        finish(i, vin0, sem0)

    @pl.when(jnp.logical_not(even))
    def _():
        finish(i, vin1, sem1)


_tc_transpose = pl.pallas_call(
    _transpose_body,
    grid=(_TGRID,),
    in_specs=[pl.BlockSpec(memory_space=pl.ANY),
              pl.BlockSpec((N_H, _TAIL2), lambda i: (0, 0))],
    out_specs=pl.BlockSpec((_TBLK // 2, 2 * N_H), lambda i: (i, 0)),
    out_shape=jax.ShapeDtypeStruct((N_VOCAB // 2, 2 * N_H), jnp.float32),
    scratch_shapes=[
        pltpu.VMEM((N_H, _TBLK), jnp.float32),
        pltpu.VMEM((N_H, _TBLK), jnp.float32),
        pltpu.SemaphoreType.DMA,
        pltpu.SemaphoreType.DMA,
    ],
)


def kernel(inputs, V, b):
    del b
    v_t = V.T
    tail = jax.lax.slice(v_t, (0, N_VOCAB - _TAIL2), (N_H, N_VOCAB))
    v_rm = _tc_transpose(v_t, tail).reshape(N_VOCAB, N_H)
    v = inputs.astype(jnp.int32).reshape(TOTAL)
    blk_base = 244 * _TBLK
    off = v & (_TBLK - 1)
    h = _TBLK // 2
    m_main = (v & ~(_TBLK - 1)) + jnp.where(
        off < h, off << 1, ((off - h) << 1) + 1)
    toff = v - blk_base
    ht = (_TAIL + _TAIL2) // 2
    m_tail = blk_base + jnp.where(
        toff < ht, toff << 1, ((toff - ht) << 1) + 1)
    idx = jnp.where(v < blk_base, m_main, m_tail)
    out2d = _gather_kernel(v_rm, idx)
    return out2d.reshape(BATCH, SEQ, N_H)

# --- scband reference (transcript-rebuilt; emitter-appended) ---
"""Pipeline reference for scband-shared-embedding-27015344292605 (READ-ONLY COPY).

The authoritative reference and input builder live on the scoring server;
editing this copy changes nothing except your own understanding.
"""

import jax, jax.numpy as jnp
import numpy as np

N_VOCAB = 1000000
N_H = 64
BATCH = 4096
SEQ = 50

def setup_inputs(seed: int = 0) -> dict:
    key = jax.random.key(seed)
    k_idx, k_v = jax.random.split(key)
    inputs = jax.random.randint(k_idx, (BATCH, SEQ), 0, N_VOCAB)
    V = jax.random.normal(k_v, (N_VOCAB, N_H), dtype=jnp.float32) * 0.05
    b = jnp.zeros((N_VOCAB,), dtype=jnp.float32)
    return {"inputs": inputs, "V": V, "b": b}

def reference(inputs, V, b):
    # tf.nn.embedding_lookup(params=V, ids=inputs)
    out = jnp.take(V, inputs, axis=0)
    return out

if __name__ == "__main__":
    import jax
    _d = setup_inputs()
    print(jax.jit(kernel)(*tuple(_d.values())))

</pallas_src>

<mosaic_0001>
#map = affine_map<(d0, d1) -> (0, 0)>
#map1 = affine_map<(d0, d1) -> (0)>
module attributes {stable_mosaic.version = 14 : i64} {
  func.func @_gather_kernel(%arg0: i32, %arg1: i32, %arg2: memref<1000000x64xf32, #tpu.memory_space<hbm>>, %arg3: memref<204800xi32, #tpu.memory_space<hbm>>, %arg4: memref<204800x64xf32, #tpu.memory_space<hbm>>, %arg5: memref<6400xi32, #tpu.memory_space<vmem>>, %arg6: memref<800x64xf32, #tpu.memory_space<vmem>>, %arg7: memref<800x64xf32, #tpu.memory_space<vmem>>, %arg8: memref<!tpu.dma_semaphore, #tpu.memory_space<semaphore_mem>>, %arg9: memref<!tpu.dma_semaphore, #tpu.memory_space<semaphore_mem>>, %arg10: memref<!tpu.dma_semaphore, #tpu.memory_space<semaphore_mem>>, %arg11: memref<!tpu.dma_semaphore, #tpu.memory_space<semaphore_mem>>) attributes {dimension_semantics = [#tpu.dimension_semantics<core_parallel>, #tpu.dimension_semantics<subcore_parallel>], iteration_bounds = array<i64: 2, 16>, scalar_prefetch = 0 : i64, scratch_operands = 7 : i64, tpu.core_type = #tpu.core_type<sc_vector_subcore>, window_params = [{transform_indices = #map}, {transform_indices = #map1}, {transform_indices = #map}]} {
    %mul3A = arith.constant 2 : i32
    %mul3A_0 = arith.muli %arg1, %mul3A : i32
    %add3A = arith.addi %mul3A_0, %arg0 : i32
    %mul3A_1 = arith.constant 6400 : i32
    %mul3A_2 = arith.muli %add3A, %mul3A_1 : i32
    "tpu.region"() ({
      %run_scoped3A = tpu.sem_alloc : memref<!tpu.dma_semaphore, #tpu.memory_space<semaphore_mem>>
      %dma_start3A_161 = tpu.memref_slice %arg3[%mul3A_2] : memref<204800xi32, #tpu.memory_space<hbm>> -> memref<6400xi32, #tpu.memory_space<hbm>>
      %dma_start3A_162 = tpu.memref_slice %arg3[%mul3A_2] : memref<204800xi32, #tpu.memory_space<hbm>> -> memref<6400xi32, #tpu.memory_space<hbm>>
      tpu.enqueue_dma source(%dma_start3A_162 : memref<6400xi32, #tpu.memory_space<hbm>>) target(%arg5 : memref<6400xi32, #tpu.memory_space<vmem>>) target_semaphore(%run_scoped3A : memref<!tpu.dma_semaphore, #tpu.memory_space<semaphore_mem>>)
      %dma_wait3A_163 = tpu.memref_slice %arg3[%mul3A_2] : memref<204800xi32, #tpu.memory_space<hbm>> -> memref<6400xi32, #tpu.memory_space<hbm>>
      %dma_wait3A_164 = tpu.memref_slice %arg3[%mul3A_2] : memref<204800xi32, #tpu.memory_space<hbm>> -> memref<6400xi32, #tpu.memory_space<hbm>>
      tpu.wait_dma2 semaphore(%run_scoped3A : memref<!tpu.dma_semaphore, #tpu.memory_space<semaphore_mem>>) src(%dma_wait3A_164 : memref<6400xi32, #tpu.memory_space<hbm>>) dst(%arg5 : memref<6400xi32, #tpu.memory_space<vmem>>)
      tpu.yield
    }) : () -> ()
    %dma_start3A = arith.constant 0 : i32
    %dma_start3A_3 = tpu.memref_slice %arg5[%dma_start3A] : memref<6400xi32, #tpu.memory_space<vmem>> -> memref<800xi32, #tpu.memory_space<vmem>>
    %dma_start3A_4 = arith.constant 0 : i32
    %dma_start3A_5 = arith.constant 0 : i32
    %dma_start3A_6 = tpu.memref_slice %arg2[%dma_start3A_4, %dma_start3A_5] : memref<1000000x64xf32, #tpu.memory_space<hbm>> -> memref<1000000x64xf32, #tpu.memory_space<hbm>>
    tpu.enqueue_indirect_dma source(%dma_start3A_6 : memref<1000000x64xf32, #tpu.memory_space<hbm>>) target(%arg6 : memref<800x64xf32, #tpu.memory_space<vmem>>) offsets(%dma_start3A_3 : memref<800xi32, #tpu.memory_space<vmem>>) semaphore(%arg8 : memref<!tpu.dma_semaphore, #tpu.memory_space<semaphore_mem>>)
    %dma_wait3A = arith.constant 0 : i32
    %dma_wait3A_7 = tpu.memref_slice %arg5[%dma_wait3A] : memref<6400xi32, #tpu.memory_space<vmem>> -> memref<800xi32, #tpu.memory_space<vmem>>
    %dma_wait3A_8 = arith.constant 0 : i32
    %dma_wait3A_9 = arith.constant 0 : i32
    %dma_wait3A_10 = tpu.memref_slice %arg2[%dma_wait3A_8, %dma_wait3A_9] : memref<1000000x64xf32, #tpu.memory_space<hbm>> -> memref<1000000x64xf32, #tpu.memory_space<hbm>>
    tpu.wait_indirect_dma semaphore(%arg8 : memref<!tpu.dma_semaphore, #tpu.memory_space<semaphore_mem>>) src(%dma_wait3A_10 : memref<1000000x64xf32, #tpu.memory_space<hbm>>) dst(%arg6 : memref<800x64xf32, #tpu.memory_space<vmem>>)
    %dma_start3A_11 = arith.constant 800 : i32
    %dma_start3A_12 = tpu.memref_slice %arg5[%dma_start3A_11] : memref<6400xi32, #tpu.memory_space<vmem>> -> memref<800xi32, #tpu.memory_space<vmem>>
    %dma_start3A_13 = arith.constant 0 : i32
    %dma_start3A_14 = arith.constant 0 : i32
    %dma_start3A_15 = tpu.memref_slice %arg2[%dma_start3A_13, %dma_start3A_14] : memref<1000000x64xf32, #tpu.memory_space<hbm>> -> memref<1000000x64xf32, #tpu.memory_space<hbm>>
    tpu.enqueue_indirect_dma source(%dma_start3A_15 : memref<1000000x64xf32, #tpu.memory_space<hbm>>) target(%arg7 : memref<800x64xf32, #tpu.memory_space<vmem>>) offsets(%dma_start3A_12 : memref<800xi32, #tpu.memory_space<vmem>>) semaphore(%arg9 : memref<!tpu.dma_semaphore, #tpu.memory_space<semaphore_mem>>)
    %add3A_16 = arith.constant 0 : i32
    %add3A_17 = arith.addi %mul3A_2, %add3A_16 : i32
    %dma_start3A_18 = arith.constant 0 : i32
    %dma_start3A_19 = tpu.memref_slice %arg4[%add3A_17, %dma_start3A_18] : memref<204800x64xf32, #tpu.memory_space<hbm>> -> memref<800x64xf32, #tpu.memory_space<hbm>>
    %dma_start3A_20 = arith.constant 0 : i32
    %dma_start3A_21 = tpu.memref_slice %arg4[%add3A_17, %dma_start3A_20] : memref<204800x64xf32, #tpu.memory_space<hbm>> -> memref<800x64xf32, #tpu.memory_space<hbm>>
    tpu.enqueue_dma source(%arg6 : memref<800x64xf32, #tpu.memory_space<vmem>>) target(%dma_start3A_21 : memref<800x64xf32, #tpu.memory_space<hbm>>) target_semaphore(%arg10 : memref<!tpu.dma_semaphore, #tpu.memory_space<semaphore_mem>>)
    %dma_wait3A_22 = arith.constant 800 : i32
    %dma_wait3A_23 = tpu.memref_slice %arg5[%dma_wait3A_22] : memref<6400xi32, #tpu.memory_space<vmem>> -> memref<800xi32, #tpu.memory_space<vmem>>
    %dma_wait3A_24 = arith.constant 0 : i32
    %dma_wait3A_25 = arith.constant 0 : i32
    %dma_wait3A_26 = tpu.memref_slice %arg2[%dma_wait3A_24, %dma_wait3A_25] : memref<1000000x64xf32, #tpu.memory_space<hbm>> -> memref<1000000x64xf32, #tpu.memory_space<hbm>>
    tpu.wait_indirect_dma semaphore(%arg9 : memref<!tpu.dma_semaphore, #tpu.memory_space<semaphore_mem>>) src(%dma_wait3A_26 : memref<1000000x64xf32, #tpu.memory_space<hbm>>) dst(%arg7 : memref<800x64xf32, #tpu.memory_space<vmem>>)
    %dma_wait3A_27 = arith.constant 0 : i32
    %dma_wait3A_28 = tpu.memref_slice %arg4[%mul3A_2, %dma_wait3A_27] : memref<204800x64xf32, #tpu.memory_space<hbm>> -> memref<800x64xf32, #tpu.memory_space<hbm>>
    %dma_wait3A_29 = arith.constant 0 : i32
    %dma_wait3A_30 = tpu.memref_slice %arg4[%mul3A_2, %dma_wait3A_29] : memref<204800x64xf32, #tpu.memory_space<hbm>> -> memref<800x64xf32, #tpu.memory_space<hbm>>
    tpu.wait_dma2 semaphore(%arg10 : memref<!tpu.dma_semaphore, #tpu.memory_space<semaphore_mem>>) src(%arg6 : memref<800x64xf32, #tpu.memory_space<vmem>>) dst(%dma_wait3A_30 : memref<800x64xf32, #tpu.memory_space<hbm>>)
    %dma_start3A_31 = arith.constant 1600 : i32
    %dma_start3A_32 = tpu.memref_slice %arg5[%dma_start3A_31] : memref<6400xi32, #tpu.memory_space<vmem>> -> memref<800xi32, #tpu.memory_space<vmem>>
    %dma_start3A_33 = arith.constant 0 : i32
    %dma_start3A_34 = arith.constant 0 : i32
    %dma_start3A_35 = tpu.memref_slice %arg2[%dma_start3A_33, %dma_start3A_34] : memref<1000000x64xf32, #tpu.memory_space<hbm>> -> memref<1000000x64xf32, #tpu.memory_space<hbm>>
    tpu.enqueue_indirect_dma source(%dma_start3A_35 : memref<1000000x64xf32, #tpu.memory_space<hbm>>) target(%arg6 : memref<800x64xf32, #tpu.memory_space<vmem>>) offsets(%dma_start3A_32 : memref<800xi32, #tpu.memory_space<vmem>>) semaphore(%arg8 : memref<!tpu.dma_semaphore, #tpu.memory_space<semaphore_mem>>)
    %add3A_36 = arith.constant 800 : i32
    %add3A_37 = arith.addi %mul3A_2, %add3A_36 : i32
    %dma_start3A_38 = arith.constant 0 : i32
    %dma_start3A_39 = tpu.memref_slice %arg4[%add3A_37, %dma_start3A_38] : memref<204800x64xf32, #tpu.memory_space<hbm>> -> memref<800x64xf32, #tpu.memory_space<hbm>>
    %dma_start3A_40 = arith.constant 0 : i32
    %dma_start3A_41 = tpu.memref_slice %arg4[%add3A_37, %dma_start3A_40] : memref<204800x64xf32, #tpu.memory_space<hbm>> -> memref<800x64xf32, #tpu.memory_space<hbm>>
    tpu.enqueue_dma source(%arg7 : memref<800x64xf32, #tpu.memory_space<vmem>>) target(%dma_start3A_41 : memref<800x64xf32, #tpu.memory_space<hbm>>) target_semaphore(%arg11 : memref<!tpu.dma_semaphore, #tpu.memory_space<semaphore_mem>>)
    %dma_wait3A_42 = arith.constant 1600 : i32
    %dma_wait3A_43 = tpu.memref_slice %arg5[%dma_wait3A_42] : memref<6400xi32, #tpu.memory_space<vmem>> -> memref<800xi32, #tpu.memory_space<vmem>>
    %dma_wait3A_44 = arith.constant 0 : i32
    %dma_wait3A_45 = arith.constant 0 : i32
    %dma_wait3A_46 = tpu.memref_slice %arg2[%dma_wait3A_44, %dma_wait3A_45] : memref<1000000x64xf32, #tpu.memory_space<hbm>> -> memref<1000000x64xf32, #tpu.memory_space<hbm>>
    tpu.wait_indirect_dma semaphore(%arg8 : memref<!tpu.dma_semaphore, #tpu.memory_space<semaphore_mem>>) src(%dma_wait3A_46 : memref<1000000x64xf32, #tpu.memory_space<hbm>>) dst(%arg6 : memref<800x64xf32, #tpu.memory_space<vmem>>)
    %dma_wait3A_47 = arith.constant 0 : i32
    %dma_wait3A_48 = tpu.memref_slice %arg4[%mul3A_2, %dma_wait3A_47] : memref<204800x64xf32, #tpu.memory_space<hbm>> -> memref<800x64xf32, #tpu.memory_space<hbm>>
    %dma_wait3A_49 = arith.constant 0 : i32
    %dma_wait3A_50 = tpu.memref_slice %arg4[%mul3A_2, %dma_wait3A_49] : memref<204800x64xf32, #tpu.memory_space<hbm>> -> memref<800x64xf32, #tpu.memory_space<hbm>>
    tpu.wait_dma2 semaphore(%arg11 : memref<!tpu.dma_semaphore, #tpu.memory_space<semaphore_mem>>) src(%arg7 : memref<800x64xf32, #tpu.memory_space<vmem>>) dst(%dma_wait3A_50 : memref<800x64xf32, #tpu.memory_space<hbm>>)
    %dma_start3A_51 = arith.constant 2400 : i32
    %dma_start3A_52 = tpu.memref_slice %arg5[%dma_start3A_51] : memref<6400xi32, #tpu.memory_space<vmem>> -> memref<800xi32, #tpu.memory_space<vmem>>
    %dma_start3A_53 = arith.constant 0 : i32
    %dma_start3A_54 = arith.constant 0 : i32
    %dma_start3A_55 = tpu.memref_slice %arg2[%dma_start3A_53, %dma_start3A_54] : memref<1000000x64xf32, #tpu.memory_space<hbm>> -> memref<1000000x64xf32, #tpu.memory_space<hbm>>
    tpu.enqueue_indirect_dma source(%dma_start3A_55 : memref<1000000x64xf32, #tpu.memory_space<hbm>>) target(%arg7 : memref<800x64xf32, #tpu.memory_space<vmem>>) offsets(%dma_start3A_52 : memref<800xi32, #tpu.memory_space<vmem>>) semaphore(%arg9 : memref<!tpu.dma_semaphore, #tpu.memory_space<semaphore_mem>>)
    %add3A_56 = arith.constant 1600 : i32
    %add3A_57 = arith.addi %mul3A_2, %add3A_56 : i32
    %dma_start3A_58 = arith.constant 0 : i32
    %dma_start3A_59 = tpu.memref_slice %arg4[%add3A_57, %dma_start3A_58] : memref<204800x64xf32, #tpu.memory_space<hbm>> -> memref<800x64xf32, #tpu.memory_space<hbm>>
    %dma_start3A_60 = arith.constant 0 : i32
    %dma_start3A_61 = tpu.memref_slice %arg4[%add3A_57, %dma_start3A_60] : memref<204800x64xf32, #tpu.memory_space<hbm>> -> memref<800x64xf32, #tpu.memory_space<hbm>>
    tpu.enqueue_dma source(%arg6 : memref<800x64xf32, #tpu.memory_space<vmem>>) target(%dma_start3A_61 : memref<800x64xf32, #tpu.memory_space<hbm>>) target_semaphore(%arg10 : memref<!tpu.dma_semaphore, #tpu.memory_space<semaphore_mem>>)
    %dma_wait3A_62 = arith.constant 2400 : i32
    %dma_wait3A_63 = tpu.memref_slice %arg5[%dma_wait3A_62] : memref<6400xi32, #tpu.memory_space<vmem>> -> memref<800xi32, #tpu.memory_space<vmem>>
    %dma_wait3A_64 = arith.constant 0 : i32
    %dma_wait3A_65 = arith.constant 0 : i32
    %dma_wait3A_66 = tpu.memref_slice %arg2[%dma_wait3A_64, %dma_wait3A_65] : memref<1000000x64xf32, #tpu.memory_space<hbm>> -> memref<1000000x64xf32, #tpu.memory_space<hbm>>
    tpu.wait_indirect_dma semaphore(%arg9 : memref<!tpu.dma_semaphore, #tpu.memory_space<semaphore_mem>>) src(%dma_wait3A_66 : memref<1000000x64xf32, #tpu.memory_space<hbm>>) dst(%arg7 : memref<800x64xf32, #tpu.memory_space<vmem>>)
    %dma_wait3A_67 = arith.constant 0 : i32
    %dma_wait3A_68 = tpu.memref_slice %arg4[%mul3A_2, %dma_wait3A_67] : memref<204800x64xf32, #tpu.memory_space<hbm>> -> memref<800x64xf32, #tpu.memory_space<hbm>>
    %dma_wait3A_69 = arith.constant 0 : i32
    %dma_wait3A_70 = tpu.memref_slice %arg4[%mul3A_2, %dma_wait3A_69] : memref<204800x64xf32, #tpu.memory_space<hbm>> -> memref<800x64xf32, #tpu.memory_space<hbm>>
    tpu.wait_dma2 semaphore(%arg10 : memref<!tpu.dma_semaphore, #tpu.memory_space<semaphore_mem>>) src(%arg6 : memref<800x64xf32, #tpu.memory_space<vmem>>) dst(%dma_wait3A_70 : memref<800x64xf32, #tpu.memory_space<hbm>>)
    %dma_start3A_71 = arith.constant 3200 : i32
    %dma_start3A_72 = tpu.memref_slice %arg5[%dma_start3A_71] : memref<6400xi32, #tpu.memory_space<vmem>> -> memref<800xi32, #tpu.memory_space<vmem>>
    %dma_start3A_73 = arith.constant 0 : i32
    %dma_start3A_74 = arith.constant 0 : i32
    %dma_start3A_75 = tpu.memref_slice %arg2[%dma_start3A_73, %dma_start3A_74] : memref<1000000x64xf32, #tpu.memory_space<hbm>> -> memref<1000000x64xf32, #tpu.memory_space<hbm>>
    tpu.enqueue_indirect_dma source(%dma_start3A_75 : memref<1000000x64xf32, #tpu.memory_space<hbm>>) target(%arg6 : memref<800x64xf32, #tpu.memory_space<vmem>>) offsets(%dma_start3A_72 : memref<800xi32, #tpu.memory_space<vmem>>) semaphore(%arg8 : memref<!tpu.dma_semaphore, #tpu.memory_space<semaphore_mem>>)
    %add3A_76 = arith.constant 2400 : i32
    %add3A_77 = arith.addi %mul3A_2, %add3A_76 : i32
    %dma_start3A_78 = arith.constant 0 : i32
    %dma_start3A_79 = tpu.memref_slice %arg4[%add3A_77, %dma_start3A_78] : memref<204800x64xf32, #tpu.memory_space<hbm>> -> memref<800x64xf32, #tpu.memory_space<hbm>>
    %dma_start3A_80 = arith.constant 0 : i32
    %dma_start3A_81 = tpu.memref_slice %arg4[%add3A_77, %dma_start3A_80] : memref<204800x64xf32, #tpu.memory_space<hbm>> -> memref<800x64xf32, #tpu.memory_space<hbm>>
    tpu.enqueue_dma source(%arg7 : memref<800x64xf32, #tpu.memory_space<vmem>>) target(%dma_start3A_81 : memref<800x64xf32, #tpu.memory_space<hbm>>) target_semaphore(%arg11 : memref<!tpu.dma_semaphore, #tpu.memory_space<semaphore_mem>>)
    %dma_wait3A_82 = arith.constant 3200 : i32
    %dma_wait3A_83 = tpu.memref_slice %arg5[%dma_wait3A_82] : memref<6400xi32, #tpu.memory_space<vmem>> -> memref<800xi32, #tpu.memory_space<vmem>>
    %dma_wait3A_84 = arith.constant 0 : i32
    %dma_wait3A_85 = arith.constant 0 : i32
    %dma_wait3A_86 = tpu.memref_slice %arg2[%dma_wait3A_84, %dma_wait3A_85] : memref<1000000x64xf32, #tpu.memory_space<hbm>> -> memref<1000000x64xf32, #tpu.memory_space<hbm>>
    tpu.wait_indirect_dma semaphore(%arg8 : memref<!tpu.dma_semaphore, #tpu.memory_space<semaphore_mem>>) src(%dma_wait3A_86 : memref<1000000x64xf32, #tpu.memory_space<hbm>>) dst(%arg6 : memref<800x64xf32, #tpu.memory_space<vmem>>)
    %dma_wait3A_87 = arith.constant 0 : i32
    %dma_wait3A_88 = tpu.memref_slice %arg4[%mul3A_2, %dma_wait3A_87] : memref<204800x64xf32, #tpu.memory_space<hbm>> -> memref<800x64xf32, #tpu.memory_space<hbm>>
    %dma_wait3A_89 = arith.constant 0 : i32
    %dma_wait3A_90 = tpu.memref_slice %arg4[%mul3A_2, %dma_wait3A_89] : memref<204800x64xf32, #tpu.memory_space<hbm>> -> memref<800x64xf32, #tpu.memory_space<hbm>>
    tpu.wait_dma2 semaphore(%arg11 : memref<!tpu.dma_semaphore, #tpu.memory_space<semaphore_mem>>) src(%arg7 : memref<800x64xf32, #tpu.memory_space<vmem>>) dst(%dma_wait3A_90 : memref<800x64xf32, #tpu.memory_space<hbm>>)
    %dma_start3A_91 = arith.constant 4000 : i32
    %dma_start3A_92 = tpu.memref_slice %arg5[%dma_start3A_91] : memref<6400xi32, #tpu.memory_space<vmem>> -> memref<800xi32, #tpu.memory_space<vmem>>
    %dma_start3A_93 = arith.constant 0 : i32
    %dma_start3A_94 = arith.constant 0 : i32
    %dma_start3A_95 = tpu.memref_slice %arg2[%dma_start3A_93, %dma_start3A_94] : memref<1000000x64xf32, #tpu.memory_space<hbm>> -> memref<1000000x64xf32, #tpu.memory_space<hbm>>
    tpu.enqueue_indirect_dma source(%dma_start3A_95 : memref<1000000x64xf32, #tpu.memory_space<hbm>>) target(%arg7 : memref<800x64xf32, #tpu.memory_space<vmem>>) offsets(%dma_start3A_92 : memref<800xi32, #tpu.memory_space<vmem>>) semaphore(%arg9 : memref<!tpu.dma_semaphore, #tpu.memory_space<semaphore_mem>>)
    %add3A_96 = arith.constant 3200 : i32
    %add3A_97 = arith.addi %mul3A_2, %add3A_96 : i32
    %dma_start3A_98 = arith.constant 0 : i32
    %dma_start3A_99 = tpu.memref_slice %arg4[%add3A_97, %dma_start3A_98] : memref<204800x64xf32, #tpu.memory_space<hbm>> -> memref<800x64xf32, #tpu.memory_space<hbm>>
    %dma_start3A_100 = arith.constant 0 : i32
    %dma_start3A_101 = tpu.memref_slice %arg4[%add3A_97, %dma_start3A_100] : memref<204800x64xf32, #tpu.memory_space<hbm>> -> memref<800x64xf32, #tpu.memory_space<hbm>>
    tpu.enqueue_dma source(%arg6 : memref<800x64xf32, #tpu.memory_space<vmem>>) target(%dma_start3A_101 : memref<800x64xf32, #tpu.memory_space<hbm>>) target_semaphore(%arg10 : memref<!tpu.dma_semaphore, #tpu.memory_space<semaphore_mem>>)
    %dma_wait3A_102 = arith.constant 4000 : i32
    %dma_wait3A_103 = tpu.memref_slice %arg5[%dma_wait3A_102] : memref<6400xi32, #tpu.memory_space<vmem>> -> memref<800xi32, #tpu.memory_space<vmem>>
    %dma_wait3A_104 = arith.constant 0 : i32
    %dma_wait3A_105 = arith.constant 0 : i32
    %dma_wait3A_106 = tpu.memref_slice %arg2[%dma_wait3A_104, %dma_wait3A_105] : memref<1000000x64xf32, #tpu.memory_space<hbm>> -> memref<1000000x64xf32, #tpu.memory_space<hbm>>
    tpu.wait_indirect_dma semaphore(%arg9 : memref<!tpu.dma_semaphore, #tpu.memory_space<semaphore_mem>>) src(%dma_wait3A_106 : memref<1000000x64xf32, #tpu.memory_space<hbm>>) dst(%arg7 : memref<800x64xf32, #tpu.memory_space<vmem>>)
    %dma_wait3A_107 = arith.constant 0 : i32
    %dma_wait3A_108 = tpu.memref_slice %arg4[%mul3A_2, %dma_wait3A_107] : memref<204800x64xf32, #tpu.memory_space<hbm>> -> memref<800x64xf32, #tpu.memory_space<hbm>>
    %dma_wait3A_109 = arith.constant 0 : i32
    %dma_wait3A_110 = tpu.memref_slice %arg4[%mul3A_2, %dma_wait3A_109] : memref<204800x64xf32, #tpu.memory_space<hbm>> -> memref<800x64xf32, #tpu.memory_space<hbm>>
    tpu.wait_dma2 semaphore(%arg10 : memref<!tpu.dma_semaphore, #tpu.memory_space<semaphore_mem>>) src(%arg6 : memref<800x64xf32, #tpu.memory_space<vmem>>) dst(%dma_wait3A_110 : memref<800x64xf32, #tpu.memory_space<hbm>>)
    %dma_start3A_111 = arith.constant 4800 : i32
    %dma_start3A_112 = tpu.memref_slice %arg5[%dma_start3A_111] : memref<6400xi32, #tpu.memory_space<vmem>> -> memref<800xi32, #tpu.memory_space<vmem>>
    %dma_start3A_113 = arith.constant 0 : i32
    %dma_start3A_114 = arith.constant 0 : i32
    %dma_start3A_115 = tpu.memref_slice %arg2[%dma_start3A_113, %dma_start3A_114] : memref<1000000x64xf32, #tpu.memory_space<hbm>> -> memref<1000000x64xf32, #tpu.memory_space<hbm>>
    tpu.enqueue_indirect_dma source(%dma_start3A_115 : memref<1000000x64xf32, #tpu.memory_space<hbm>>) target(%arg6 : memref<800x64xf32, #tpu.memory_space<vmem>>) offsets(%dma_start3A_112 : memref<800xi32, #tpu.memory_space<vmem>>) semaphore(%arg8 : memref<!tpu.dma_semaphore, #tpu.memory_space<semaphore_mem>>)
    %add3A_116 = arith.constant 4000 : i32
    %add3A_117 = arith.addi %mul3A_2, %add3A_116 : i32
    %dma_start3A_118 = arith.constant 0 : i32
    %dma_start3A_119 = tpu.memref_slice %arg4[%add3A_117, %dma_start3A_118] : memref<204800x64xf32, #tpu.memory_space<hbm>> -> memref<800x64xf32, #tpu.memory_space<hbm>>
    %dma_start3A_120 = arith.constant 0 : i32
    %dma_start3A_121 = tpu.memref_slice %arg4[%add3A_117, %dma_start3A_120] : memref<204800x64xf32, #tpu.memory_space<hbm>> -> memref<800x64xf32, #tpu.memory_space<hbm>>
    tpu.enqueue_dma source(%arg7 : memref<800x64xf32, #tpu.memory_space<vmem>>) target(%dma_start3A_121 : memref<800x64xf32, #tpu.memory_space<hbm>>) target_semaphore(%arg11 : memref<!tpu.dma_semaphore, #tpu.memory_space<semaphore_mem>>)
    %dma_wait3A_122 = arith.constant 4800 : i32
    %dma_wait3A_123 = tpu.memref_slice %arg5[%dma_wait3A_122] : memref<6400xi32, #tpu.memory_space<vmem>> -> memref<800xi32, #tpu.memory_space<vmem>>
    %dma_wait3A_124 = arith.constant 0 : i32
    %dma_wait3A_125 = arith.constant 0 : i32
    %dma_wait3A_126 = tpu.memref_slice %arg2[%dma_wait3A_124, %dma_wait3A_125] : memref<1000000x64xf32, #tpu.memory_space<hbm>> -> memref<1000000x64xf32, #tpu.memory_space<hbm>>
    tpu.wait_indirect_dma semaphore(%arg8 : memref<!tpu.dma_semaphore, #tpu.memory_space<semaphore_mem>>) src(%dma_wait3A_126 : memref<1000000x64xf32, #tpu.memory_space<hbm>>) dst(%arg6 : memref<800x64xf32, #tpu.memory_space<vmem>>)
    %dma_wait3A_127 = arith.constant 0 : i32
    %dma_wait3A_128 = tpu.memref_slice %arg4[%mul3A_2, %dma_wait3A_127] : memref<204800x64xf32, #tpu.memory_space<hbm>> -> memref<800x64xf32, #tpu.memory_space<hbm>>
    %dma_wait3A_129 = arith.constant 0 : i32
    %dma_wait3A_130 = tpu.memref_slice %arg4[%mul3A_2, %dma_wait3A_129] : memref<204800x64xf32, #tpu.memory_space<hbm>> -> memref<800x64xf32, #tpu.memory_space<hbm>>
    tpu.wait_dma2 semaphore(%arg11 : memref<!tpu.dma_semaphore, #tpu.memory_space<semaphore_mem>>) src(%arg7 : memref<800x64xf32, #tpu.memory_space<vmem>>) dst(%dma_wait3A_130 : memref<800x64xf32, #tpu.memory_space<hbm>>)
    %dma_start3A_131 = arith.constant 5600 : i32
    %dma_start3A_132 = tpu.memref_slice %arg5[%dma_start3A_131] : memref<6400xi32, #tpu.memory_space<vmem>> -> memref<800xi32, #tpu.memory_space<vmem>>
    %dma_start3A_133 = arith.constant 0 : i32
    %dma_start3A_134 = arith.constant 0 : i32
    %dma_start3A_135 = tpu.memref_slice %arg2[%dma_start3A_133, %dma_start3A_134] : memref<1000000x64xf32, #tpu.memory_space<hbm>> -> memref<1000000x64xf32, #tpu.memory_space<hbm>>
    tpu.enqueue_indirect_dma source(%dma_start3A_135 : memref<1000000x64xf32, #tpu.memory_space<hbm>>) target(%arg7 : memref<800x64xf32, #tpu.memory_space<vmem>>) offsets(%dma_start3A_132 : memref<800xi32, #tpu.memory_space<vmem>>) semaphore(%arg9 : memref<!tpu.dma_semaphore, #tpu.memory_space<semaphore_mem>>)
    %add3A_136 = arith.constant 4800 : i32
    %add3A_137 = arith.addi %mul3A_2, %add3A_136 : i32
    %dma_start3A_138 = arith.constant 0 : i32
    %dma_start3A_139 = tpu.memref_slice %arg4[%add3A_137, %dma_start3A_138] : memref<204800x64xf32, #tpu.memory_space<hbm>> -> memref<800x64xf32, #tpu.memory_space<hbm>>
    %dma_start3A_140 = arith.constant 0 : i32
    %dma_start3A_141 = tpu.memref_slice %arg4[%add3A_137, %dma_start3A_140] : memref<204800x64xf32, #tpu.memory_space<hbm>> -> memref<800x64xf32, #tpu.memory_space<hbm>>
    tpu.enqueue_dma source(%arg6 : memref<800x64xf32, #tpu.memory_space<vmem>>) target(%dma_start3A_141 : memref<800x64xf32, #tpu.memory_space<hbm>>) target_semaphore(%arg10 : memref<!tpu.dma_semaphore, #tpu.memory_space<semaphore_mem>>)
    %dma_wait3A_142 = arith.constant 5600 : i32
    %dma_wait3A_143 = tpu.memref_slice %arg5[%dma_wait3A_142] : memref<6400xi32, #tpu.memory_space<vmem>> -> memref<800xi32, #tpu.memory_space<vmem>>
    %dma_wait3A_144 = arith.constant 0 : i32
    %dma_wait3A_145 = arith.constant 0 : i32
    %dma_wait3A_146 = tpu.memref_slice %arg2[%dma_wait3A_144, %dma_wait3A_145] : memref<1000000x64xf32, #tpu.memory_space<hbm>> -> memref<1000000x64xf32, #tpu.memory_space<hbm>>
    tpu.wait_indirect_dma semaphore(%arg9 : memref<!tpu.dma_semaphore, #tpu.memory_space<semaphore_mem>>) src(%dma_wait3A_146 : memref<1000000x64xf32, #tpu.memory_space<hbm>>) dst(%arg7 : memref<800x64xf32, #tpu.memory_space<vmem>>)
    %add3A_147 = arith.constant 5600 : i32
    %add3A_148 = arith.addi %mul3A_2, %add3A_147 : i32
    %dma_start3A_149 = arith.constant 0 : i32
    %dma_start3A_150 = tpu.memref_slice %arg4[%add3A_148, %dma_start3A_149] : memref<204800x64xf32, #tpu.memory_space<hbm>> -> memref<800x64xf32, #tpu.memory_space<hbm>>
    %dma_start3A_151 = arith.constant 0 : i32
    %dma_start3A_152 = tpu.memref_slice %arg4[%add3A_148, %dma_start3A_151] : memref<204800x64xf32, #tpu.memory_space<hbm>> -> memref<800x64xf32, #tpu.memory_space<hbm>>
    tpu.enqueue_dma source(%arg7 : memref<800x64xf32, #tpu.memory_space<vmem>>) target(%dma_start3A_152 : memref<800x64xf32, #tpu.memory_space<hbm>>) target_semaphore(%arg11 : memref<!tpu.dma_semaphore, #tpu.memory_space<semaphore_mem>>)
    %dma_wait3A_153 = arith.constant 0 : i32
    %dma_wait3A_154 = tpu.memref_slice %arg4[%mul3A_2, %dma_wait3A_153] : memref<204800x64xf32, #tpu.memory_space<hbm>> -> memref<800x64xf32, #tpu.memory_space<hbm>>
    %dma_wait3A_155 = arith.constant 0 : i32
    %dma_wait3A_156 = tpu.memref_slice %arg4[%mul3A_2, %dma_wait3A_155] : memref<204800x64xf32, #tpu.memory_space<hbm>> -> memref<800x64xf32, #tpu.memory_space<hbm>>
    tpu.wait_dma2 semaphore(%arg10 : memref<!tpu.dma_semaphore, #tpu.memory_space<semaphore_mem>>) src(%arg6 : memref<800x64xf32, #tpu.memory_space<vmem>>) dst(%dma_wait3A_156 : memref<800x64xf32, #tpu.memory_space<hbm>>)
    %dma_wait3A_157 = arith.constant 0 : i32
    %dma_wait3A_158 = tpu.memref_slice %arg4[%mul3A_2, %dma_wait3A_157] : memref<204800x64xf32, #tpu.memory_space<hbm>> -> memref<800x64xf32, #tpu.memory_space<hbm>>
    %dma_wait3A_159 = arith.constant 0 : i32
    %dma_wait3A_160 = tpu.memref_slice %arg4[%mul3A_2, %dma_wait3A_159] : memref<204800x64xf32, #tpu.memory_space<hbm>> -> memref<800x64xf32, #tpu.memory_space<hbm>>
    tpu.wait_dma2 semaphore(%arg11 : memref<!tpu.dma_semaphore, #tpu.memory_space<semaphore_mem>>) src(%arg7 : memref<800x64xf32, #tpu.memory_space<vmem>>) dst(%dma_wait3A_160 : memref<800x64xf32, #tpu.memory_space<hbm>>)
    return
  }
}

module attributes {stable_mosaic.version = 14 : i64} {
  func.func @_transpose_body(%arg0: i32, %arg1: memref<64x1000000xf32, #tpu.memory_space<any>>, %arg2: memref<64x64xf32, #tpu.memory_space<vmem>>, %arg3: memref<2048x128xf32, #tpu.memory_space<vmem>>, %arg4: memref<64x4096xf32, #tpu.memory_space<vmem>>, %arg5: memref<64x4096xf32, #tpu.memory_space<vmem>>, %arg6: memref<!tpu.dma_semaphore, #tpu.memory_space<semaphore_mem>>, %arg7: memref<!tpu.dma_semaphore, #tpu.memory_space<semaphore_mem>>) attributes {dimension_semantics = [#tpu.dimension_semantics<arbitrary>], iteration_bounds = array<i64: 245>, scalar_prefetch = 0 : i64, scratch_operands = 4 : i64, tpu.core_type = #tpu.core_type<tc>, window_params = [{}, {pipeline_mode = #tpu.pipeline_mode<synchronous>, transform_indices = @transform_1, window_bounds = array<i64: 64, 64>}, {transform_indices = @transform_2, window_bounds = array<i64: 2048, 128>}]} {
    %eq3A = arith.constant 0 : i32
    %eq3A_0 = arith.cmpi eq, %arg0, %eq3A : i32
    %convert_element_type3A = arith.extui %eq3A_0 : i1 to i32
    %cond3A = arith.constant 0 : i32
    %cond3A_1 = arith.cmpi ne, %convert_element_type3A, %cond3A : i32
    scf.if %cond3A_1 {
      %lt3A_27 = arith.constant 244 : i32
      %lt3A_28 = arith.cmpi slt, %arg0, %lt3A_27 : i32
      %convert_element_type3A_29 = arith.extui %lt3A_28 : i1 to i32
      %cond3A_30 = arith.constant 0 : i32
      %cond3A_31 = arith.cmpi ne, %convert_element_type3A_29, %cond3A_30 : i32
      scf.if %cond3A_31 {
        %mul3A = arith.constant 4096 : i32
        %mul3A_37 = arith.muli %arg0, %mul3A : i32
        %multiple_of3A = tpu.assume_multiple %mul3A_37, 128 : i32
        %dma_start3A = arith.constant 0 : i32
        %dma_start3A_38 = tpu.memref_slice %arg1[%dma_start3A, %multiple_of3A] : memref<64x1000000xf32, #tpu.memory_space<any>> -> memref<64x4096xf32, #tpu.memory_space<any>>
        tpu.enqueue_dma source(%dma_start3A_38 : memref<64x4096xf32, #tpu.memory_space<any>>) target(%arg4 : memref<64x4096xf32, #tpu.memory_space<vmem>>) target_semaphore(%arg6 : memref<!tpu.dma_semaphore, #tpu.memory_space<semaphore_mem>>)
      } else {
      }
      %eq3A_32 = arith.constant 244 : i32
      %eq3A_33 = arith.cmpi eq, %arg0, %eq3A_32 : i32
      %convert_element_type3A_34 = arith.extui %eq3A_33 : i1 to i32
      %cond3A_35 = arith.constant 0 : i32
      %cond3A_36 = arith.cmpi ne, %convert_element_type3A_34, %cond3A_35 : i32
      scf.if %cond3A_36 {
        %dma_start3A = arith.constant 0 : i32
        %dma_start3A_37 = arith.constant 0 : i32
        %dma_start3A_38 = tpu.memref_slice %arg4[%dma_start3A, %dma_start3A_37] : memref<64x4096xf32, #tpu.memory_space<vmem>> -> memref<64x512xf32, #tpu.memory_space<vmem>>
        %dma_start3A_39 = arith.constant 0 : i32
        %dma_start3A_40 = arith.constant 999424 : i32
        %dma_start3A_41 = tpu.memref_slice %arg1[%dma_start3A_39, %dma_start3A_40] : memref<64x1000000xf32, #tpu.memory_space<any>> -> memref<64x512xf32, #tpu.memory_space<any>>
        tpu.enqueue_dma source(%dma_start3A_41 : memref<64x512xf32, #tpu.memory_space<any>>) target(%dma_start3A_38 : memref<64x512xf32, #tpu.memory_space<vmem>>) target_semaphore(%arg6 : memref<!tpu.dma_semaphore, #tpu.memory_space<semaphore_mem>>)
      } else {
      }
    } else {
    }
    %rem3A = arith.constant 2 : i32
    %rem3A_2 = arith.remsi %arg0, %rem3A : i32
    %eq3A_3 = arith.constant 0 : i32
    %eq3A_4 = arith.cmpi eq, %rem3A_2, %eq3A_3 : i32
    %add3A = arith.constant 1 : i32
    %add3A_5 = arith.addi %arg0, %add3A : i32
    %lt3A = arith.constant 245 : i32
    %lt3A_6 = arith.cmpi slt, %add3A_5, %lt3A : i32
    %and3A = arith.andi %lt3A_6, %eq3A_4 : i1
    %convert_element_type3A_7 = arith.extui %and3A : i1 to i32
    %cond3A_8 = arith.constant 0 : i32
    %cond3A_9 = arith.cmpi ne, %convert_element_type3A_7, %cond3A_8 : i32
    scf.if %cond3A_9 {
      %add3A_27 = arith.constant 1 : i32
      %add3A_28 = arith.addi %arg0, %add3A_27 : i32
      %lt3A_29 = arith.constant 244 : i32
      %lt3A_30 = arith.cmpi slt, %add3A_28, %lt3A_29 : i32
      %convert_element_type3A_31 = arith.extui %lt3A_30 : i1 to i32
      %cond3A_32 = arith.constant 0 : i32
      %cond3A_33 = arith.cmpi ne, %convert_element_type3A_31, %cond3A_32 : i32
      scf.if %cond3A_33 {
        %mul3A = arith.constant 4096 : i32
        %mul3A_39 = arith.muli %add3A_28, %mul3A : i32
        %multiple_of3A = tpu.assume_multiple %mul3A_39, 128 : i32
        %dma_start3A = arith.constant 0 : i32
        %dma_start3A_40 = tpu.memref_slice %arg1[%dma_start3A, %multiple_of3A] : memref<64x1000000xf32, #tpu.memory_space<any>> -> memref<64x4096xf32, #tpu.memory_space<any>>
        tpu.enqueue_dma source(%dma_start3A_40 : memref<64x4096xf32, #tpu.memory_space<any>>) target(%arg5 : memref<64x4096xf32, #tpu.memory_space<vmem>>) target_semaphore(%arg7 : memref<!tpu.dma_semaphore, #tpu.memory_space<semaphore_mem>>)
      } else {
      }
      %eq3A_34 = arith.constant 244 : i32
      %eq3A_35 = arith.cmpi eq, %add3A_28, %eq3A_34 : i32
      %convert_element_type3A_36 = arith.extui %eq3A_35 : i1 to i32
      %cond3A_37 = arith.constant 0 : i32
      %cond3A_38 = arith.cmpi ne, %convert_element_type3A_36, %cond3A_37 : i32
      scf.if %cond3A_38 {
        %dma_start3A = arith.constant 0 : i32
        %dma_start3A_39 = arith.constant 0 : i32
        %dma_start3A_40 = tpu.memref_slice %arg5[%dma_start3A, %dma_start3A_39] : memref<64x4096xf32, #tpu.memory_space<vmem>> -> memref<64x512xf32, #tpu.memory_space<vmem>>
        %dma_start3A_41 = arith.constant 0 : i32
        %dma_start3A_42 = arith.constant 999424 : i32
        %dma_start3A_43 = tpu.memref_slice %arg1[%dma_start3A_41, %dma_start3A_42] : memref<64x1000000xf32, #tpu.memory_space<any>> -> memref<64x512xf32, #tpu.memory_space<any>>
        tpu.enqueue_dma source(%dma_start3A_43 : memref<64x512xf32, #tpu.memory_space<any>>) target(%dma_start3A_40 : memref<64x512xf32, #tpu.memory_space<vmem>>) target_semaphore(%arg7 : memref<!tpu.dma_semaphore, #tpu.memory_space<semaphore_mem>>)
      } else {
      }
    } else {
    }
    %add3A_10 = arith.constant 1 : i32
    %add3A_11 = arith.addi %arg0, %add3A_10 : i32
    %lt3A_12 = arith.constant 245 : i32
    %lt3A_13 = arith.cmpi slt, %add3A_11, %lt3A_12 : i32
    %not3A = arith.constant true
    %not3A_14 = arith.xori %eq3A_4, %not3A : i1
    %and3A_15 = arith.andi %lt3A_13, %not3A_14 : i1
    %convert_element_type3A_16 = arith.extui %and3A_15 : i1 to i32
    %cond3A_17 = arith.constant 0 : i32
    %cond3A_18 = arith.cmpi ne, %convert_element_type3A_16, %cond3A_17 : i32
    scf.if %cond3A_18 {
      %add3A_27 = arith.constant 1 : i32
      %add3A_28 = arith.addi %arg0, %add3A_27 : i32
      %lt3A_29 = arith.constant 244 : i32
      %lt3A_30 = arith.cmpi slt, %add3A_28, %lt3A_29 : i32
      %convert_element_type3A_31 = arith.extui %lt3A_30 : i1 to i32
      %cond3A_32 = arith.constant 0 : i32
      %cond3A_33 = arith.cmpi ne, %convert_element_type3A_31, %cond3A_32 : i32
      scf.if %cond3A_33 {
        %mul3A = arith.constant 4096 : i32
        %mul3A_39 = arith.muli %add3A_28, %mul3A : i32
        %multiple_of3A = tpu.assume_multiple %mul3A_39, 128 : i32
        %dma_start3A = arith.constant 0 : i32
        %dma_start3A_40 = tpu.memref_slice %arg1[%dma_start3A, %multiple_of3A] : memref<64x1000000xf32, #tpu.memory_space<any>> -> memref<64x4096xf32, #tpu.memory_space<any>>
        tpu.enqueue_dma source(%dma_start3A_40 : memref<64x4096xf32, #tpu.memory_space<any>>) target(%arg4 : memref<64x4096xf32, #tpu.memory_space<vmem>>) target_semaphore(%arg6 : memref<!tpu.dma_semaphore, #tpu.memory_space<semaphore_mem>>)
      } else {
      }
      %eq3A_34 = arith.constant 244 : i32
      %eq3A_35 = arith.cmpi eq, %add3A_28, %eq3A_34 : i32
      %convert_element_type3A_36 = arith.extui %eq3A_35 : i1 to i32
      %cond3A_37 = arith.constant 0 : i32
      %cond3A_38 = arith.cmpi ne, %convert_element_type3A_36, %cond3A_37 : i32
      scf.if %cond3A_38 {
        %dma_start3A = arith.constant 0 : i32
        %dma_start3A_39 = arith.constant 0 : i32
        %dma_start3A_40 = tpu.memref_slice %arg4[%dma_start3A, %dma_start3A_39] : memref<64x4096xf32, #tpu.memory_space<vmem>> -> memref<64x512xf32, #tpu.memory_space<vmem>>
        %dma_start3A_41 = arith.constant 0 : i32
        %dma_start3A_42 = arith.constant 999424 : i32
        %dma_start3A_43 = tpu.memref_slice %arg1[%dma_start3A_41, %dma_start3A_42] : memref<64x1000000xf32, #tpu.memory_space<any>> -> memref<64x512xf32, #tpu.memory_space<any>>
        tpu.enqueue_dma source(%dma_start3A_43 : memref<64x512xf32, #tpu.memory_space<any>>) target(%dma_start3A_40 : memref<64x512xf32, #tpu.memory_space<vmem>>) target_semaphore(%arg6 : memref<!tpu.dma_semaphore, #tpu.memory_space<semaphore_mem>>)
      } else {
      }
    } else {
    }
    %convert_element_type3A_19 = arith.extui %eq3A_4 : i1 to i32
    %cond3A_20 = arith.constant 0 : i32
    %cond3A_21 = arith.cmpi ne, %convert_element_type3A_19, %cond3A_20 : i32
    scf.if %cond3A_21 {
      %lt3A_27 = arith.constant 244 : i32
      %lt3A_28 = arith.cmpi slt, %arg0, %lt3A_27 : i32
      %convert_element_type3A_29 = arith.extui %lt3A_28 : i1 to i32
      %cond3A_30 = arith.constant 0 : i32
      %cond3A_31 = arith.cmpi ne, %convert_element_type3A_29, %cond3A_30 : i32
      scf.if %cond3A_31 {
        %dma_wait3A = arith.constant 0 : i32
        %dma_wait3A_37 = arith.constant 0 : i32
        %dma_wait3A_38 = tpu.memref_slice %arg1[%dma_wait3A, %dma_wait3A_37] : memref<64x1000000xf32, #tpu.memory_space<any>> -> memref<64x4096xf32, #tpu.memory_space<any>>
        tpu.wait_dma2 semaphore(%arg6 : memref<!tpu.dma_semaphore, #tpu.memory_space<semaphore_mem>>) src(%dma_wait3A_38 : memref<64x4096xf32, #tpu.memory_space<any>>) dst(%arg4 : memref<64x4096xf32, #tpu.memory_space<vmem>>)
        %get3A = arith.constant 0 : index
        %get3A_39 = arith.constant 0 : index
        %get3A_40 = vector.load %arg4[%get3A, %get3A_39] : memref<64x4096xf32, #tpu.memory_space<vmem>>, vector<64x4096xf32>
        %slice3A = vector.extract_strided_slice %get3A_40 {offsets = [0, 0], sizes = [64, 2048], strides = [1, 1]} : vector<64x4096xf32> to vector<64x2048xf32>
        %slice3A_41 = vector.extract_strided_slice %get3A_40 {offsets = [0, 2048], sizes = [64, 2048], strides = [1, 1]} : vector<64x4096xf32> to vector<64x2048xf32>
        %concatenate3A = tpu.concatenate %slice3A, %slice3A_41 in 0 : vector<64x2048xf32>, vector<64x2048xf32> -> vector<128x2048xf32>
        %transpose3A = tpu.transpose %concatenate3A, [1, 0] : vector<128x2048xf32> -> vector<2048x128xf32>
        %swap3A = arith.constant 0 : index
        %swap3A_42 = arith.constant 0 : index
        %swap3A_43 = vector.load %arg3[%swap3A, %swap3A_42] : memref<2048x128xf32, #tpu.memory_space<vmem>>, vector<2048x128xf32>
        tpu.vector_store %arg3[%swap3A, %swap3A_42], %transpose3A {strides = array<i32>} : memref<2048x128xf32, #tpu.memory_space<vmem>>, vector<2048x128xf32>,
      } else {
      }
      %eq3A_32 = arith.constant 244 : i32
      %eq3A_33 = arith.cmpi eq, %arg0, %eq3A_32 : i32
      %convert_element_type3A_34 = arith.extui %eq3A_33 : i1 to i32
      %cond3A_35 = arith.constant 0 : i32
      %cond3A_36 = arith.cmpi ne, %convert_element_type3A_34, %cond3A_35 : i32
      scf.if %cond3A_36 {
        %dma_wait3A = arith.constant 0 : i32
        %dma_wait3A_37 = arith.constant 0 : i32
        %dma_wait3A_38 = tpu.memref_slice %arg4[%dma_wait3A, %dma_wait3A_37] : memref<64x4096xf32, #tpu.memory_space<vmem>> -> memref<64x512xf32, #tpu.memory_space<vmem>>
        %dma_wait3A_39 = arith.constant 0 : i32
        %dma_wait3A_40 = arith.constant 0 : i32
        %dma_wait3A_41 = tpu.memref_slice %arg1[%dma_wait3A_39, %dma_wait3A_40] : memref<64x1000000xf32, #tpu.memory_space<any>> -> memref<64x512xf32, #tpu.memory_space<any>>
        tpu.wait_dma2 semaphore(%arg6 : memref<!tpu.dma_semaphore, #tpu.memory_space<semaphore_mem>>) src(%dma_wait3A_41 : memref<64x512xf32, #tpu.memory_space<any>>) dst(%dma_wait3A_38 : memref<64x512xf32, #tpu.memory_space<vmem>>)
        %get3A = arith.constant 0 : index
        %get3A_42 = arith.constant 0 : index
        %get3A_43 = vector.load %arg4[%get3A, %get3A_42] : memref<64x4096xf32, #tpu.memory_space<vmem>>, vector<64x512xf32>
        %get3A_44 = arith.constant 0 : index
        %get3A_45 = arith.constant 0 : index
        %get3A_46 = vector.load %arg2[%get3A_44, %get3A_45] : memref<64x64xf32, #tpu.memory_space<vmem>>, vector<64x64xf32>
        %concatenate3A = tpu.concatenate %get3A_43, %get3A_46 in 1 : vector<64x512xf32>, vector<64x64xf32> -> vector<64x576xf32>
        %slice3A = vector.extract_strided_slice %concatenate3A {offsets = [0, 0], sizes = [64, 288], strides = [1, 1]} : vector<64x576xf32> to vector<64x288xf32>
        %slice3A_47 = vector.extract_strided_slice %concatenate3A {offsets = [0, 288], sizes = [64, 288], strides = [1, 1]} : vector<64x576xf32> to vector<64x288xf32>
        %concatenate3A_48 = tpu.concatenate %slice3A, %slice3A_47 in 0 : vector<64x288xf32>, vector<64x288xf32> -> vector<128x288xf32>
        %transpose3A = tpu.transpose %concatenate3A_48, [1, 0] : vector<128x288xf32> -> vector<288x128xf32>
        %swap3A = arith.constant 0 : index
        %swap3A_49 = arith.constant 0 : index
        %swap3A_50 = vector.load %arg3[%swap3A, %swap3A_49] : memref<2048x128xf32, #tpu.memory_space<vmem>>, vector<288x128xf32>
        tpu.vector_store %arg3[%swap3A, %swap3A_49], %transpose3A {strides = array<i32>} : memref<2048x128xf32, #tpu.memory_space<vmem>>, vector<288x128xf32>,
      } else {
      }
    } else {
    }
    %not3A_22 = arith.constant true
    %not3A_23 = arith.xori %eq3A_4, %not3A_22 : i1
    %convert_element_type3A_24 = arith.extui %not3A_23 : i1 to i32
    %cond3A_25 = arith.constant 0 : i32
    %cond3A_26 = arith.cmpi ne, %convert_element_type3A_24, %cond3A_25 : i32
    scf.if %cond3A_26 {
      %lt3A_27 = arith.constant 244 : i32
      %lt3A_28 = arith.cmpi slt, %arg0, %lt3A_27 : i32
      %convert_element_type3A_29 = arith.extui %lt3A_28 : i1 to i32
      %cond3A_30 = arith.constant 0 : i32
      %cond3A_31 = arith.cmpi ne, %convert_element_type3A_29, %cond3A_30 : i32
      scf.if %cond3A_31 {
        %dma_wait3A = arith.constant 0 : i32
        %dma_wait3A_37 = arith.constant 0 : i32
        %dma_wait3A_38 = tpu.memref_slice %arg1[%dma_wait3A, %dma_wait3A_37] : memref<64x1000000xf32, #tpu.memory_space<any>> -> memref<64x4096xf32, #tpu.memory_space<any>>
        tpu.wait_dma2 semaphore(%arg7 : memref<!tpu.dma_semaphore, #tpu.memory_space<semaphore_mem>>) src(%dma_wait3A_38 : memref<64x4096xf32, #tpu.memory_space<any>>) dst(%arg5 : memref<64x4096xf32, #tpu.memory_space<vmem>>)
        %get3A = arith.constant 0 : index
        %get3A_39 = arith.constant 0 : index
        %get3A_40 = vector.load %arg5[%get3A, %get3A_39] : memref<64x4096xf32, #tpu.memory_space<vmem>>, vector<64x4096xf32>
        %slice3A = vector.extract_strided_slice %get3A_40 {offsets = [0, 0], sizes = [64, 2048], strides = [1, 1]} : vector<64x4096xf32> to vector<64x2048xf32>
        %slice3A_41 = vector.extract_strided_slice %get3A_40 {offsets = [0, 2048], sizes = [64, 2048], strides = [1, 1]} : vector<64x4096xf32> to vector<64x2048xf32>
        %concatenate3A = tpu.concatenate %slice3A, %slice3A_41 in 0 : vector<64x2048xf32>, vector<64x2048xf32> -> vector<128x2048xf32>
        %transpose3A = tpu.transpose %concatenate3A, [1, 0] : vector<128x2048xf32> -> vector<2048x128xf32>
        %swap3A = arith.constant 0 : index
        %swap3A_42 = arith.constant 0 : index
        %swap3A_43 = vector.load %arg3[%swap3A, %swap3A_42] : memref<2048x128xf32, #tpu.memory_space<vmem>>, vector<2048x128xf32>
        tpu.vector_store %arg3[%swap3A, %swap3A_42], %transpose3A {strides = array<i32>} : memref<2048x128xf32, #tpu.memory_space<vmem>>, vector<2048x128xf32>,
      } else {
      }
      %eq3A_32 = arith.constant 244 : i32
      %eq3A_33 = arith.cmpi eq, %arg0, %eq3A_32 : i32
      %convert_element_type3A_34 = arith.extui %eq3A_33 : i1 to i32
      %cond3A_35 = arith.constant 0 : i32
      %cond3A_36 = arith.cmpi ne, %convert_element_type3A_34, %cond3A_35 : i32
      scf.if %cond3A_36 {
        %dma_wait3A = arith.constant 0 : i32
        %dma_wait3A_37 = arith.constant 0 : i32
        %dma_wait3A_38 = tpu.memref_slice %arg5[%dma_wait3A, %dma_wait3A_37] : memref<64x4096xf32, #tpu.memory_space<vmem>> -> memref<64x512xf32, #tpu.memory_space<vmem>>
        %dma_wait3A_39 = arith.constant 0 : i32
        %dma_wait3A_40 = arith.constant 0 : i32
        %dma_wait3A_41 = tpu.memref_slice %arg1[%dma_wait3A_39, %dma_wait3A_40] : memref<64x1000000xf32, #tpu.memory_space<any>> -> memref<64x512xf32, #tpu.memory_space<any>>
        tpu.wait_dma2 semaphore(%arg7 : memref<!tpu.dma_semaphore, #tpu.memory_space<semaphore_mem>>) src(%dma_wait3A_41 : memref<64x512xf32, #tpu.memory_space<any>>) dst(%dma_wait3A_38 : memref<64x512xf32, #tpu.memory_space<vmem>>)
        %get3A = arith.constant 0 : index
        %get3A_42 = arith.constant 0 : index
        %get3A_43 = vector.load %arg5[%get3A, %get3A_42] : memref<64x4096xf32, #tpu.memory_space<vmem>>, vector<64x512xf32>
        %get3A_44 = arith.constant 0 : index
        %get3A_45 = arith.constant 0 : index
        %get3A_46 = vector.load %arg2[%get3A_44, %get3A_45] : memref<64x64xf32, #tpu.memory_space<vmem>>, vector<64x64xf32>
        %concatenate3A = tpu.concatenate %get3A_43, %get3A_46 in 1 : vector<64x512xf32>, vector<64x64xf32> -> vector<64x576xf32>
        %slice3A = vector.extract_strided_slice %concatenate3A {offsets = [0, 0], sizes = [64, 288], strides = [1, 1]} : vector<64x576xf32> to vector<64x288xf32>
        %slice3A_47 = vector.extract_strided_slice %concatenate3A {offsets = [0, 288], sizes = [64, 288], strides = [1, 1]} : vector<64x576xf32> to vector<64x288xf32>
        %concatenate3A_48 = tpu.concatenate %slice3A, %slice3A_47 in 0 : vector<64x288xf32>, vector<64x288xf32> -> vector<128x288xf32>
        %transpose3A = tpu.transpose %concatenate3A_48, [1, 0] : vector<128x288xf32> -> vector<288x128xf32>
        %swap3A = arith.constant 0 : index
        %swap3A_49 = arith.constant 0 : index
        %swap3A_50 = vector.load %arg3[%swap3A, %swap3A_49] : memref<2048x128xf32, #tpu.memory_space<vmem>>, vector<288x128xf32>
        tpu.vector_store %arg3[%swap3A, %swap3A_49], %transpose3A {strides = array<i32>} : memref<2048x128xf32, #tpu.memory_space<vmem>>, vector<288x128xf32>,
      } else {
      }
    } else {
    }
    return
  }
  func.func @transform_1(%arg0: i32) -> (i32, i32) {
    %c0_i32 = arith.constant 0 : i32
    %c0_i32_0 = arith.constant 0 : i32
    %c0_i32_1 = arith.constant 0 : i32
    return %c0_i32, %c0_i32_0 : i32, i32
  }
  func.func @transform_2(%arg0: i32) -> (i32, i32) {
    %c0_i32 = arith.constant 0 : i32
    %c0_i32_0 = arith.constant 0 : i32
    return %arg0, %c0_i32 : i32, i32
  }
}

</mosaic_0001>

<sc_bundles>
// kernel: kernel.4.cloned.1.call-start
scs
__scs_entry_jumppad:
0x0: {  	(pc) =	sbr.rel $0x88, $3  }
0x1: {  	(tag) =	ssettag $0x0;
	lr =	simm.s32 $0x1  }
0x2: {  	[smem:$0x3F9F] =	sst lr;
	_ =	strace $0xD0000000  }
0x3: {  	_ = 	snop  }
0x4: {  	_ = 	snop  }
0x5: {  	_ = 	snop  }
0x6: {  	_ = 	snop  }
0x7: {  	_ = 	snop  }
__scs_overlays_trampoline_lowered:
0x8: {  	[smem:$0x3FAE] =	sst s0  }
0x9: {  	[smem:$0x3FAF] =	sst s1  }
0xa: {  	[smem:$0x3FB0] =	sst s2  }
0xb: {  	[smem:$0x3FB1] =	sst s3  }
0xc: {  	[smem:$0x3FB2] =	sst s4  }
0xd: {  	[smem:$0x3FB3] =	sst s5  }
0xe: {  	[smem:$0x3FB4] =	sst s6  }
0xf: {  	[smem:$0x3FB5] =	sst s7  }
0x10: {  	[smem:$0x3FB6] =	sst s8  }
0x11: {  	[smem:$0x3FB7] =	sst s9;
	s0 =	simm.s32 @!p0 $0x0  }
0x12: {  	s1 =	sld [smem:$0x3F9D];
	s0 =	simm.s32 @p0 $0x1  }
0x13: {  	[smem:$0x3FB8] =	sst s0;
	s0 =	simm.s32 @!p1 $0x0  }
0x14: {  	s2 =	sld [smem:$0x3F9C];
	s0 =	simm.s32 @p1 $0x1  }
0x15: {  	[smem:$0x3FB9] =	sst s0;
	s0 =	simm.s32 @!p2 $0x0  }
0x16: {  	s3 =	sld [smem:$0x3FDB];
	s0 =	simm.s32 @p2 $0x1  }
0x17: {  	s4 =	simm.s32 $0x1BF5;
	[smem:$0x3FBB] =	sst s0  }
0x18: {  	s0 =	sld [smem:$0x3F9E];
	_ =	swait.ge [sflag:s4], $0x0  }
0x19: {  	s7 =	sld [smem:$0x3F9F]  }
0x1a: {  	s8 =	sadd.s32 $0xFFFFE003, lr  }
0x1b: {  	s9 =	sadd.s32 $0xFFFFFEF7, lr;
	s5 =	simm.s32 $0xFFFFFFFF;
	p2 =	slt.u32 s8, $0xFFFFF086  }
0x1c: {  	p1 =	slt.u32 s9, $0xF7A;
	s5 =	simm.s32 @!p2 $0x0  }
0x1d: {  	s5 =	simm.s32 @p1 $0x1;
	p0 =	seq.s32 s7, s2  }
0x1e: {  	s7 =	smul.u32 @!p0 $0xF7A, s2;
	p2 =	seq.s32 @!p0 s5, $0x0  }
0x1f: {  	s9 =	smul.u32 $0xF7A, s1;
	s8 =	simm.s32 @!p0 $0x1BF5;
	p2 =	por !p2, p0  }
0x20: {  	[sflag:s8] =	ssyncset.s32 @!p0 $0xFFFFF086;
	s6 =	sadd.s32 @!p0 s3, s7;
	s7 =	simm.s32 @!p0 $0x108  }
0x21: {  	s3 =	sadd.s32 s3, s9;
	s6 =	sadd.s32 @!p0 $0x88, s6;
	s7 =	simm.s32 @p2 $0x1082  }
0x22: {  	[simem:s7], [sflag:s8] =	dma.local @!p0 [hbm:s6], $0xF7A  }
0x23: {  	s9 =	sor.u32 $0xD0000000, s2;
	s6 =	simm.s32 $0x108;
	_ =	swait.ge @!p0 [sflag:s8], $0x0  }
0x24: {  	s3 =	sadd.s32 $0x88, s3;
	s6 =	simm.s32 @!p1 $0x1082;
	[sflag:s4] =	ssyncset.s32 $0xFFFFF086  }
0x25: {  	[simem:s6], [sflag:s4] =	dma.local [hbm:s3], $0xF7A  }
0x26: {  	[smem:$0x3F9F] =	sst s1;
	(tag) =	ssettag s2;
	_ =	strace s9  }
0x27: {  	s1 =	sld [smem:$0x3FAF]  }
0x28: {  	s2 =	sld [smem:$0x3FB0]  }
0x29: {  	s4 =	sld [smem:$0x3FB2]  }
0x2a: {  	p0 =	seq.s32 s5, $0x0;
	s5 =	sld [smem:$0x3FB3]  }
0x2b: {  	s6 =	sld [smem:$0x3FB4]  }
0x2c: {  	s7 =	sld [smem:$0x3FB5]  }
0x2d: {  	s3 =	simm.s32 $0x108;
	s8 =	sld [smem:$0x3FB6]  }
0x2e: {  	s3 =	simm.s32 @!p0 $0x1082;
	s9 =	sld [smem:$0x3FB7]  }
0x2f: {  	lr =	sadd.s32 s0, s3;
	s0 =	sld [smem:$0x3FAE]  }
0x30: {  	s3 =	sld [smem:$0x3FB1]  }
0x31: {  	[smem:$0x3FBA] =	sst s10  }
0x32: {  	s10 =	sld [smem:$0x3FB8];
	_ =	sdelay $0x3  }
0x33: {  	p0 =	seq.s32 s10, $0x1;
	s10 =	sld [smem:$0x3FBA];
	_ =	sdelay $0x3  }
0x34: {  	[smem:$0x3FBA] =	sst s10  }
0x35: {  	s10 =	sld [smem:$0x3FB9];
	_ =	sdelay $0x3  }
0x36: {  	p1 =	seq.s32 s10, $0x1;
	s10 =	sld [smem:$0x3FBA];
	_ =	sdelay $0x3  }
0x37: {  	[smem:$0x3FBA] =	sst s10  }
0x38: {  	s10 =	sld [smem:$0x3FBB]  }
0x39: {  	_ = 	snop;
	(pc) =	sbr.ind lr, $3  }
0x3a: {  	_ = 	snop  }
0x3b: {  	_ = 	snop  }
0x3c: {  	p2 =	seq.s32 s10, $0x1;
	s10 =	sld [smem:$0x3FBA]  }
0x3d: {  	_ =	shalt  }
0x3e: {  	_ =	shalt  }
0x3f: {  	_ =	shalt  }
0x40: {  	_ =	shalt  }
0x41: {  	_ =	shalt  }
0x42: {  	_ =	shalt  }
0x43: {  	_ =	shalt  }
0x44: {  	_ =	shalt  }
0x45: {  	_ =	shalt  }
0x46: {  	_ =	shalt  }
0x47: {  	_ =	shalt  }
0x48: {  	_ =	shalt  }
0x49: {  	_ =	shalt  }
0x4a: {  	_ =	shalt  }
0x4b: {  	_ =	shalt  }
0x4c: {  	_ =	shalt  }
0x4d: {  	_ =	shalt  }
0x4e: {  	_ =	shalt  }
0x4f: {  	_ =	shalt  }
0x50: {  	_ =	shalt  }
0x51: {  	_ =	shalt  }
0x52: {  	_ =	shalt  }
0x53: {  	_ =	shalt  }
0x54: {  	_ =	shalt  }
0x55: {  	_ =	shalt  }
0x56: {  	_ =	shalt  }
0x57: {  	_ =	shalt  }
0x58: {  	_ =	shalt  }
0x59: {  	_ =	shalt  }
0x5a: {  	_ =	shalt  }
0x5b: {  	_ =	shalt  }
0x5c: {  	_ =	shalt  }
0x5d: {  	_ =	shalt  }
0x5e: {  	_ =	shalt  }
0x5f: {  	_ =	shalt  }
0x60: {  	_ =	shalt  }
0x61: {  	_ =	shalt  }
0x62: {  	_ =	shalt  }
0x63: {  	_ =	shalt  }
0x64: {  	_ =	shalt  }
0x65: {  	_ =	shalt  }
0x66: {  	_ =	shalt  }
0x67: {  	_ =	shalt  }
0x68: {  	_ =	shalt  }
0x69: {  	_ =	shalt  }
0x6a: {  	_ =	shalt  }
0x6b: {  	_ =	shalt  }
0x6c: {  	_ =	shalt  }
0x6d: {  	_ =	shalt  }
0x6e: {  	_ =	shalt  }
0x6f: {  	_ =	shalt  }
0x70: {  	_ =	shalt  }
0x71: {  	_ =	shalt  }
0x72: {  	_ =	shalt  }
0x73: {  	_ =	shalt  }
0x74: {  	_ =	shalt  }
0x75: {  	_ =	shalt  }
0x76: {  	_ =	shalt  }
0x77: {  	_ =	shalt  }
0x78: {  	_ =	shalt  }
0x79: {  	_ =	shalt  }
0x7a: {  	_ =	shalt  }
0x7b: {  	_ =	shalt  }
0x7c: {  	_ =	shalt  }
0x7d: {  	_ =	shalt  }
0x7e: {  	_ =	shalt  }
0x7f: {  	_ =	shalt  }
0x80: {  	_ =	shalt  }
0x81: {  	_ =	shalt  }
0x82: {  	_ =	shalt  }
0x83: {  	_ =	shalt  }
0x84: {  	_ =	shalt  }
0x85: {  	_ =	shalt  }
0x86: {  	_ =	shalt  }
0x87: {  	_ =	shalt  }
.Lfunc_end0:
.L_simem_size_0:
called_computation.1_lowered:
.L_overlay_start_0:
0x88: {  	s2 =	sld [smem:$0x3FD9]  }
0x89: {  	s3 =	sld [smem:$0x3FFE];
	_ =	sdelay $0x1  }
0x8a: {  	s1 =	srdreg.scid  }
0x8b: {  	s0 =	sand.u32 $0x1, s1  }
0x8c: {  	s17 =	sshll.u32 s0, $0xA;
	s2 =	sadd.s32 s3, s2  }
0x8d: {  	s2 =	sadd.s32 s2, s17  }
0x8e: {  	[smem:$0x3FC6] =	sst s2  }
0x8f: {  	_ = 	snop  }
0x90: {  	s2 =	sld [smem:$0x3FD0];
	(tm) =	ssettm $0x1  }
0x91: {  	s18 =	sld [smem:$0x3FFB];
	_ =	sdelay $0x3  }
0x92: {  	_ =	strace s18  }
0x93: {  	s3 =	sld [smem:$0x3FFC];
	_ =	sdelay $0x3  }
0x94: {  	_ =	strace s3  }
0x95: {  	s3 =	sld [smem:$0x3FFD];
	_ =	sdelay $0x3  }
0x96: {  	_ =	strace s3  }
0x97: {  	_ =	strace $0x8FFFFFFF  }
0x98: {  	s19 =	sld [smem:$0x3FDB];
	_ =	sdelay $0x1  }
0x99: {  	s4 =	simm.s32 $_scs_section_size  }
0x9a: {  	s5 =	simm.s32 $_size__tile_overlayer_lowered;
	s6 =	simm.s32 $_tile_overlayer_lowered  }
0x9b: {  	s22 =	simm.s32 $0x1BFF;
	s21 =	sshll.u32 s6, $0x1;
	s3 =	sadd.s32 s4, s19  }
0x9c: {  	s7 =	simm.s32 $0x0;
	s20 =	sshll.u32 s5, $0x1;
	s5 =	sadd.s32 s21, s3  }
0x9d: {  	[timem:s7], [sflag:s22] =	dma.local [hbm:s5], s20  }
0x9e: {  	_ =	swait.ge [sflag:s22], s20  }
0x9f: {  	s4 =	ssub.s32 $0x0, s20;
	[sflag:s22] =	ssyncset.done $0x0  }
0xa0: {  	[sflag:s22] =	ssyncadd.s32 s4;
	_ =	sdelay $0x1  }
0xa1: {  	s23 =	simm.s32 $0x1B8B  }
0xa2: {  	_ =	swait.ge [sflag:s23], $0x1  }
0xa3: {  	[sflag:s23] =	ssyncset.done $0x0  }
0xa4: {  	s25 =	simm.s32 $0x1B8E;
	s24 =	sld [smem:$0x3FFE];
	[sflag:s23] =	ssyncadd.s32 $0xFFFFFFFF  }
0xa5: {  	s26 =	simm.s32 $execute0_lowered;
	[smem:$0x3FD2] =	sst s25  }
0xa6: {  	s5 =	sshll.u32 s26, $0x1;
	_ =	strace $0x80000046;
	[dreg:$0x1] =	wrdreg $0xFFFFFFFF  }
0xa7: {  	s28 =	simm.s32 $_size_execute0_lowered;
	s3 =	sadd.s32 s3, s5;
	[dreg:$0x0] =	wrdreg $0x0  }
0xa8: {  	s5 =	sshll.u32 s28, $0x1;
	[dreg:$0x2] =	wrdreg s3  }
0xa9: {  	[dreg:$0x3] =	wrdreg s5  }
0xaa: {  	[dreg:$0x4] =	wrdreg $0xC0  }
0xab: {  	_ =	task [dreg:s7], $0x5FFFF  }
0xac: {  	[dreg:$0x1] =	wrdreg $0xFFFFFFFF  }
0xad: {  	[dreg:$0x0] =	wrdreg $0x60  }
0xae: {  	[dreg:$0x2] =	wrdreg s24  }
0xaf: {  	[dreg:$0x3] =	wrdreg s2  }
0xb0: {  	[dreg:$0x4] =	wrdreg $0x9  }
0xb1: {  	_ =	task.clear_ibuf [dreg:s7], $0x5FFFF;
	_ =	strace $0x90000046  }
0xb2: {  	s29 =	simm.s32 $0x9;
	_ =	strace $0x80000048  }
0xb3: {  	_ =	swait.ge [sflag:s29], $0x1  }
0xb4: {  	[sflag:s29] =	ssyncadd.s32 $0xFFFFFFFF  }
0xb5: {  	_ =	strace $0x90000048  }
0xb6: {  	_ =	sfence  }
0xb7: {  	s30 =	sld [smem:$0x0];
	_ =	sdelay $0x2  }
0xb8: {  	s31 =	sshll.u32 s1, $0xD;
	s1 =	sshrl.u32 s1, $0x2  }
0xb9: {  	s3 =	sand.u32 $0x4000, s31;
	s1 =	sadd.s32 s1, s30  }
0xba: {  	s0 =	sor.u32 s3, s0;
	s1 =	sshll.u32 s1, $0x11  }
0xbb: {  	s0 =	sor.u32 s1, s0  }
0xbc: {  	s0 =	sadd.s32 $0x8F2B, s0  }
0xbd: {  	[sflag:s0] =	ssyncadd.remote.s32 $0x1  }
0xbe: {  	_ =	sfence.sel $0xFFFF  }
0xbf: {  	[dreg:$0x0] =	wrdreg $0xFFFFFFFF;
	(pc) =	sbr.abs _section_cstart, $3  }
0xc0: {  	[dreg:$0x1] =	wrdreg $0xFFFFFFFF  }
0xc1: {  	_ =	task.clear_ibuf [dreg:s7], $0x2FFFF;
	_ =	strace $0x9FFFFFFF  }
0xc2: {  	(tm) =	ssettm $0x7FFFFFFF  }
0xc3: {  	_ =	shalt  }
tec
execute0_lowered:
.L_overlay_start_1:
0x0: {  	(tag) =	ssettag $0x1  }
0x1: {  	s1 =	srdreg.scid;
	s0 =	stileid.u32  }
0x2: {  	s26 =	sand.u32 $0x1, s1;
	s31 =	sshll.u32 s0, $0x1  }
0x3: {  	s12 =	sor.u32 s26, s31  }
0x4: {  	s5 =	rddreg [dreg:$0x0];
	s3 =	smul.u32 $0x320, s12  }
0x5: {  	s13 =	rddreg [dreg:$0x1];
	s2 =	simm.s32 $0x0  }
0x6: {  	s4 =	simm.s32 $0x5;
	[smem:$0x7FF] =	sst s2;
	s3 =	sadd.s32 s3, s5  }
0x7: {  	s1 =	rddreg [dreg:$0x2];
	_ =	strace $0x80000047;
	s3 =	sadd.s32 $0x800, s3  }
0x8: {  	[tilespmem:s2], [sflag:$0x5] =	stream.linear.gather [hbm4b:s3+s2], $0x1900, $0x38;
	[tilespmem:$0x1A900] =	vst v63  }
0x9: {  	_ =	swait.ge [sflag:s4], $0x1900  }
0xa: {  	s6 =	simm.s32 $0x320;
	s7 =	simm.s32 $0x1900;
	[sflag:s4] =	ssyncset.done $0x0  }
0xb: {  	s8 =	simm.s32 $0x1;
	s5 =	sadd.s32 $0x6C00, s5;
	[sflag:s4] =	ssyncadd.s32 $0xFFFFE700  }
0xc: {  	[tilespmem:s7], [sflag:$0x1] =	stream.indirect.gather [hbm4b:s5+s6], $0x40, s2, s6, $0xb8;
	[tilespmem:$0x1A900] =	vst v63  }
0xd: {  	_ =	swait.ge [sflag:s8], $0xC800  }
0xe: {  	[sflag:s8] =	ssyncset.done $0x0  }
0xf: {  	s9 =	simm.s32 $0xE100;
	s10 =	smul.u32 $0xC800, s12;
	[sflag:s8] =	ssyncadd.s32 $0xFFFF3800  }
0x10: {  	[tilespmem:s9], [sflag:$0x2] =	stream.indirect.gather [hbm4b:s5+s6], $0x40, s6, s6, $0xb8;
	[tilespmem:$0x1A900] =	vst v63  }
0x11: {  	s11 =	simm.s32 $0x2;
	s10 =	sadd.s32 s13, s10  }
0x12: {  	[hbm4b:s10+s2] =	stream.linear.scatter [tilespmem:s7], [sflag:$0x3], $0xC800, $0x38;
	[tilespmem:$0x1A900] =	vst v63  }
0x13: {  	_ =	swait.ge [sflag:s11], $0xC800  }
0x14: {  	[sflag:s11] =	ssyncset.done $0x0  }
0x15: {  	s14 =	smul.u32 $0x64000, s12;
	s12 =	simm.s32 $0x3;
	[sflag:s11] =	ssyncadd.s32 $0xFFFF3800  }
0x16: {  	_ =	swait.ge [sflag:s12], $0xC800  }
0x17: {  	s14 =	sshrl.u32 s14, $0x3;
	[sflag:s12] =	ssyncset.done $0x0  }
0x18: {  	s28 =	sadd.s32 s13, s14;
	s13 =	simm.s32 $0x640;
	[sflag:s12] =	ssyncadd.s32 $0xFFFF3800  }
0x19: {  	[tilespmem:s7], [sflag:$0x1] =	stream.indirect.gather [hbm4b:s5+s6], $0x40, s13, s6, $0xb8;
	[tilespmem:$0x1A900] =	vst v63  }
0x1a: {  	s14 =	sadd.s32 $0x1900, s28  }
0x1b: {  	[hbm4b:s14+s2] =	stream.linear.scatter [tilespmem:s9], [sflag:$0x4], $0xC800, $0x38;
	[tilespmem:$0x1A900] =	vst v63  }
0x1c: {  	_ =	swait.ge [sflag:s8], $0xC800  }
0x1d: {  	[sflag:s8] =	ssyncset.done $0x0  }
0x1e: {  	s15 =	simm.s32 $0x4;
	[sflag:s8] =	ssyncadd.s32 $0xFFFF3800  }
0x1f: {  	_ =	swait.ge [sflag:s15], $0xC800  }
0x20: {  	[sflag:s15] =	ssyncset.done $0x0  }
0x21: {  	s16 =	simm.s32 $0x960;
	[sflag:s15] =	ssyncadd.s32 $0xFFFF3800  }
0x22: {  	[tilespmem:s9], [sflag:$0x2] =	stream.indirect.gather [hbm4b:s5+s6], $0x40, s16, s6, $0xb8;
	[tilespmem:$0x1A900] =	vst v63  }
0x23: {  	s17 =	sadd.s32 $0x3200, s28  }
0x24: {  	[hbm4b:s17+s2] =	stream.linear.scatter [tilespmem:s7], [sflag:$0x3], $0xC800, $0x38;
	[tilespmem:$0x1A900] =	vst v63  }
0x25: {  	_ =	swait.ge [sflag:s11], $0xC800  }
0x26: {  	[sflag:s11] =	ssyncset.done $0x0  }
0x27: {  	[sflag:s11] =	ssyncadd.s32 $0xFFFF3800  }
0x28: {  	_ =	swait.ge [sflag:s12], $0xC800  }
0x29: {  	[sflag:s12] =	ssyncset.done $0x0  }
0x2a: {  	s18 =	simm.s32 $0xC80;
	[sflag:s12] =	ssyncadd.s32 $0xFFFF3800  }
0x2b: {  	[tilespmem:s7], [sflag:$0x1] =	stream.indirect.gather [hbm4b:s5+s6], $0x40, s18, s6, $0xb8;
	[tilespmem:$0x1A900] =	vst v63  }
0x2c: {  	s19 =	sadd.s32 $0x4B00, s28  }
0x2d: {  	[hbm4b:s19+s2] =	stream.linear.scatter [tilespmem:s9], [sflag:$0x4], $0xC800, $0x38;
	[tilespmem:$0x1A900] =	vst v63  }
0x2e: {  	_ =	swait.ge [sflag:s8], $0xC800  }
0x2f: {  	[sflag:s8] =	ssyncset.done $0x0  }
0x30: {  	[sflag:s8] =	ssyncadd.s32 $0xFFFF3800  }
0x31: {  	_ =	swait.ge [sflag:s15], $0xC800  }
0x32: {  	[sflag:s15] =	ssyncset.done $0x0  }
0x33: {  	s20 =	simm.s32 $0xFA0;
	[sflag:s15] =	ssyncadd.s32 $0xFFFF3800  }
0x34: {  	[tilespmem:s9], [sflag:$0x2] =	stream.indirect.gather [hbm4b:s5+s6], $0x40, s20, s6, $0xb8;
	[tilespmem:$0x1A900] =	vst v63  }
0x35: {  	s21 =	sadd.s32 $0x6400, s28  }
0x36: {  	[hbm4b:s21+s2] =	stream.linear.scatter [tilespmem:s7], [sflag:$0x3], $0xC800, $0x38;
	[tilespmem:$0x1A900] =	vst v63  }
0x37: {  	_ =	swait.ge [sflag:s11], $0xC800  }
0x38: {  	[sflag:s11] =	ssyncset.done $0x0  }
0x39: {  	[sflag:s11] =	ssyncadd.s32 $0xFFFF3800  }
0x3a: {  	_ =	swait.ge [sflag:s12], $0xC800  }
0x3b: {  	[sflag:s12] =	ssyncset.done $0x0  }
0x3c: {  	s22 =	simm.s32 $0x12C0;
	[sflag:s12] =	ssyncadd.s32 $0xFFFF3800  }
0x3d: {  	[tilespmem:s7], [sflag:$0x1] =	stream.indirect.gather [hbm4b:s5+s6], $0x40, s22, s6, $0xb8;
	[tilespmem:$0x1A900] =	vst v63  }
0x3e: {  	s23 =	sadd.s32 $0x7D00, s28  }
0x3f: {  	[hbm4b:s23+s2] =	stream.linear.scatter [tilespmem:s9], [sflag:$0x4], $0xC800, $0x38;
	[tilespmem:$0x1A900] =	vst v63  }
0x40: {  	_ =	swait.ge [sflag:s8], $0xC800  }
0x41: {  	[sflag:s8] =	ssyncset.done $0x0  }
0x42: {  	[sflag:s8] =	ssyncadd.s32 $0xFFFF3800  }
0x43: {  	_ =	swait.ge [sflag:s15], $0xC800  }
0x44: {  	[sflag:s15] =	ssyncset.done $0x0  }
0x45: {  	s24 =	simm.s32 $0x15E0;
	s29 =	ssub.s32 $0x2, s26;
	[sflag:s15] =	ssyncadd.s32 $0xFFFF3800  }
0x46: {  	[tilespmem:s9], [sflag:$0x2] =	stream.indirect.gather [hbm4b:s5+s6], $0x40, s24, s6, $0xb8;
	[tilespmem:$0x1A900] =	vst v63  }
0x47: {  	s25 =	sadd.s32 $0x9600, s28;
	s26 =	sadd.s32 $0xAF00, s28;
	s28 =	sshrl.u32 s29, $0x1  }
0x48: {  	[hbm4b:s25+s2] =	stream.linear.scatter [tilespmem:s7], [sflag:$0x3], $0xC800, $0x38;
	[tilespmem:$0x1A900] =	vst v63  }
0x49: {  	s28 =	ssub.s32 s29, s28;
	_ =	swait.ge [sflag:s11], $0xC800  }
0x4a: {  	s28 =	smax.u32 s28, $0x1;
	[sflag:s11] =	ssyncset.done $0x0  }
0x4b: {  	p0 =	sne.s32 s28, $0x1;
	[sflag:s11] =	ssyncadd.s32 $0xFFFF3800  }
0x4c: {  	[hbm4b:s26+s2] =	stream.linear.scatter [tilespmem:s9], [sflag:$0x4], $0xC800, $0x38;
	[tilespmem:$0x1A900] =	vst v63  }
.Ltmp0:
0x4d: {  	_ =	swait.ge [sflag:s12], $0xC800;
	(pc) =	sbr.rel @!p0 .LBB2_2-.Ltmp0, $4  }
0x4e: {  	[sflag:s12] =	ssyncset.done $0x0  }
0x4f: {  	[sflag:s12] =	ssyncadd.s32 $0xFFFF3800  }
0x50: {  	_ =	swait.ge [sflag:s15], $0xC800  }
0x51: {  	s28 =	sadd.s32 $0xFFFFFFFF, s28;
	[sflag:s15] =	ssyncset.done $0x0  }
.LBB2_1:
0x52: {  	p0 =	sne.s32 s28, $0x1;
	s28 =	sadd.s32 $0xFFFFFFFF, s28;
	[sflag:s15] =	ssyncadd.s32 $0xFFFF3800  }
0x53: {  	[tilespmem:s2], [sflag:$0x5] =	stream.linear.gather [hbm4b:s3+s2], $0x1900, $0x38;
	[tilespmem:$0x1A900] =	vst v63  }
0x54: {  	_ =	swait.ge [sflag:s4], $0x1900  }
0x55: {  	[sflag:s4] =	ssyncset.done $0x0  }
0x56: {  	[sflag:s4] =	ssyncadd.s32 $0xFFFFE700  }
0x57: {  	[tilespmem:s7], [sflag:$0x1] =	stream.indirect.gather [hbm4b:s5+s6], $0x40, s2, s6, $0xb8;
	[tilespmem:$0x1A900] =	vst v63  }
0x58: {  	_ =	swait.ge [sflag:s8], $0xC800  }
0x59: {  	[sflag:s8] =	ssyncset.done $0x0  }
0x5a: {  	[sflag:s8] =	ssyncadd.s32 $0xFFFF3800  }
0x5b: {  	[tilespmem:s9], [sflag:$0x2] =	stream.indirect.gather [hbm4b:s5+s6], $0x40, s6, s6, $0xb8;
	[tilespmem:$0x1A900] =	vst v63  }
0x5c: {  	_ = 	snop  }
0x5d: {  	[hbm4b:s10+s2] =	stream.linear.scatter [tilespmem:s7], [sflag:$0x3], $0xC800, $0x38;
	[tilespmem:$0x1A900] =	vst v63  }
0x5e: {  	_ =	swait.ge [sflag:s11], $0xC800  }
0x5f: {  	[sflag:s11] =	ssyncset.done $0x0  }
0x60: {  	[sflag:s11] =	ssyncadd.s32 $0xFFFF3800  }
0x61: {  	_ =	swait.ge [sflag:s12], $0xC800  }
0x62: {  	[sflag:s12] =	ssyncset.done $0x0  }
0x63: {  	[sflag:s12] =	ssyncadd.s32 $0xFFFF3800  }
0x64: {  	[tilespmem:s7], [sflag:$0x1] =	stream.indirect.gather [hbm4b:s5+s6], $0x40, s13, s6, $0xb8;
	[tilespmem:$0x1A900] =	vst v63  }
0x65: {  	_ = 	snop  }
0x66: {  	[hbm4b:s14+s2] =	stream.linear.scatter [tilespmem:s9], [sflag:$0x4], $0xC800, $0x38;
	[tilespmem:$0x1A900] =	vst v63  }
0x67: {  	_ =	swait.ge [sflag:s8], $0xC800  }
0x68: {  	[sflag:s8] =	ssyncset.done $0x0  }
0x69: {  	[sflag:s8] =	ssyncadd.s32 $0xFFFF3800  }
0x6a: {  	_ =	swait.ge [sflag:s15], $0xC800  }
0x6b: {  	[sflag:s15] =	ssyncset.done $0x0  }
0x6c: {  	[sflag:s15] =	ssyncadd.s32 $0xFFFF3800  }
0x6d: {  	[tilespmem:s9], [sflag:$0x2] =	stream.indirect.gather [hbm4b:s5+s6], $0x40, s16, s6, $0xb8;
	[tilespmem:$0x1A900] =	vst v63  }
0x6e: {  	_ = 	snop  }
0x6f: {  	[hbm4b:s17+s2] =	stream.linear.scatter [tilespmem:s7], [sflag:$0x3], $0xC800, $0x38;
	[tilespmem:$0x1A900] =	vst v63  }
0x70: {  	_ =	swait.ge [sflag:s11], $0xC800  }
0x71: {  	[sflag:s11] =	ssyncset.done $0x0  }
0x72: {  	[sflag:s11] =	ssyncadd.s32 $0xFFFF3800  }
0x73: {  	_ =	swait.ge [sflag:s12], $0xC800  }
0x74: {  	[sflag:s12] =	ssyncset.done $0x0  }
0x75: {  	[sflag:s12] =	ssyncadd.s32 $0xFFFF3800  }
0x76: {  	[tilespmem:s7], [sflag:$0x1] =	stream.indirect.gather [hbm4b:s5+s6], $0x40, s18, s6, $0xb8;
	[tilespmem:$0x1A900] =	vst v63  }
0x77: {  	_ = 	snop  }
0x78: {  	[hbm4b:s19+s2] =	stream.linear.scatter [tilespmem:s9], [sflag:$0x4], $0xC800, $0x38;
	[tilespmem:$0x1A900] =	vst v63  }
0x79: {  	_ =	swait.ge [sflag:s8], $0xC800  }
0x7a: {  	[sflag:s8] =	ssyncset.done $0x0  }
0x7b: {  	[sflag:s8] =	ssyncadd.s32 $0xFFFF3800  }
0x7c: {  	_ =	swait.ge [sflag:s15], $0xC800  }
0x7d: {  	[sflag:s15] =	ssyncset.done $0x0  }
0x7e: {  	[sflag:s15] =	ssyncadd.s32 $0xFFFF3800  }
0x7f: {  	[tilespmem:s9], [sflag:$0x2] =	stream.indirect.gather [hbm4b:s5+s6], $0x40, s20, s6, $0xb8;
	[tilespmem:$0x1A900] =	vst v63  }
0x80: {  	_ = 	snop  }
0x81: {  	[hbm4b:s21+s2] =	stream.linear.scatter [tilespmem:s7], [sflag:$0x3], $0xC800, $0x38;
	[tilespmem:$0x1A900] =	vst v63  }
0x82: {  	_ =	swait.ge [sflag:s11], $0xC800  }
0x83: {  	[sflag:s11] =	ssyncset.done $0x0  }
0x84: {  	[sflag:s11] =	ssyncadd.s32 $0xFFFF3800  }
0x85: {  	_ =	swait.ge [sflag:s12], $0xC800  }
0x86: {  	[sflag:s12] =	ssyncset.done $0x0  }
0x87: {  	[sflag:s12] =	ssyncadd.s32 $0xFFFF3800  }
0x88: {  	[tilespmem:s7], [sflag:$0x1] =	stream.indirect.gather [hbm4b:s5+s6], $0x40, s22, s6, $0xb8;
	[tilespmem:$0x1A900] =	vst v63  }
0x89: {  	_ = 	snop  }
0x8a: {  	[hbm4b:s23+s2] =	stream.linear.scatter [tilespmem:s9], [sflag:$0x4], $0xC800, $0x38;
	[tilespmem:$0x1A900] =	vst v63  }
0x8b: {  	_ =	swait.ge [sflag:s8], $0xC800  }
0x8c: {  	[sflag:s8] =	ssyncset.done $0x0  }
0x8d: {  	[sflag:s8] =	ssyncadd.s32 $0xFFFF3800  }
0x8e: {  	_ =	swait.ge [sflag:s15], $0xC800  }
0x8f: {  	[sflag:s15] =	ssyncset.done $0x0  }
0x90: {  	[sflag:s15] =	ssyncadd.s32 $0xFFFF3800  }
0x91: {  	[tilespmem:s9], [sflag:$0x2] =	stream.indirect.gather [hbm4b:s5+s6], $0x40, s24, s6, $0xb8;
	[tilespmem:$0x1A900] =	vst v63  }
0x92: {  	_ = 	snop  }
0x93: {  	[hbm4b:s25+s2] =	stream.linear.scatter [tilespmem:s7], [sflag:$0x3], $0xC800, $0x38;
	[tilespmem:$0x1A900] =	vst v63  }
0x94: {  	_ =	swait.ge [sflag:s11], $0xC800  }
0x95: {  	[sflag:s11] =	ssyncset.done $0x0  }
0x96: {  	[sflag:s11] =	ssyncadd.s32 $0xFFFF3800  }
0x97: {  	[hbm4b:s26+s2] =	stream.linear.scatter [tilespmem:s9], [sflag:$0x4], $0xC800, $0x38;
	[tilespmem:$0x1A900] =	vst v63  }
.Ltmp1:
0x98: {  	_ =	swait.ge [sflag:s12], $0xC800;
	(pc) =	sbr.rel @p0 .LBB2_1-.Ltmp1, $4  }
0x99: {  	[sflag:s12] =	ssyncset.done $0x0  }
0x9a: {  	[sflag:s12] =	ssyncadd.s32 $0xFFFF3800  }
0x9b: {  	_ =	swait.ge [sflag:s15], $0xC800  }
0x9c: {  	[sflag:s15] =	ssyncset.done $0x0  }
.LBB2_2:
0x9d: {  	[sflag:s15] =	ssyncadd.s32 $0xFFFF3800  }
0x9e: {  	_ =	sfence.sel $0x180000  }
0x9f: {  	[bflag:$0x0] =	sbarrier.arrive $0xFFFF  }
0xa0: {  	p0 =	sne.s32 s0, $0x0;
	_ =	strace $0x90000047  }
0xa1: {  	s0 =	sadd.s32 @!p0 $0x100000, s1;
	[bflag:$0x2] =	sbarrier.arrive $0xFFFF  }
0xa2: {  	[sflag:s0] =	ssyncadd.tile.s32 @!p0 $0x1;
	_ =	shalt  }
.Lfunc_end2:
_tile_overlayer_lowered:
.L_overlay_start_2:
0xa3: {  	(tag) =	ssettag $0x2  }
0xa4: {  	s0 =	rddreg [dreg:$0x0];
	s2 =	stileid.u32  }
0xa5: {  	s1 =	rddreg [dreg:$0x1];
	p0 =	sne.s32 s2, $0x0  }
0xa6: {  	s3 =	rddreg [dreg:$0x2];
	[bflag:$0x3] =	sbarrier.arrive $0xFFFF;
	s2 =	simm.s32 @!p0 $0x1C05  }
0xa7: {  	[timem:s3], [sflag:s2] =	dma.local @!p0 [hbm:s0], s1  }
0xa8: {  	s0 =	simm.s32 @!p0 $0x5  }
0xa9: {  	_ =	swait.ge @!p0 [sflag:s0], s1  }
0xaa: {  	s1 =	ssub.s32 @!p0 $0x0, s1;
	[sflag:s0] =	ssyncset.done @!p0 $0x0  }
0xab: {  	[sflag:s0] =	ssyncadd.s32 @!p0 s1  }
0xac: {  	[bflag:$0x3] =	sbarrier.arrive $0xFFFF  }
0xad: {  	_ =	shalt  }

// kernel: sparse-core-data-format-call.cloned.1.call-start
scs
called_computation_lowered:
.L_overlay_start_0:
0x0: {  	s2 =	sld [smem:$0x3FD9]  }
0x1: {  	s3 =	sld [smem:$0x3FFE];
	_ =	sdelay $0x1  }
0x2: {  	s1 =	srdreg.scid  }
0x3: {  	s0 =	sand.u32 $0x1, s1  }
0x4: {  	s18 =	sshll.u32 s0, $0xA;
	s2 =	sadd.s32 s3, s2  }
0x5: {  	s2 =	sadd.s32 s2, s18  }
0x6: {  	[smem:$0x3FC6] =	sst s2  }
0x7: {  	_ = 	snop  }
0x8: {  	s2 =	sld [smem:$0x3FD0];
	(tm) =	ssettm $0x1  }
0x9: {  	s19 =	sld [smem:$0x3FFB];
	_ =	sdelay $0x3  }
0xa: {  	_ =	strace s19  }
0xb: {  	s3 =	sld [smem:$0x3FFC];
	_ =	sdelay $0x3  }
0xc: {  	_ =	strace s3  }
0xd: {  	s3 =	sld [smem:$0x3FFD];
	_ =	sdelay $0x3  }
0xe: {  	_ =	strace s3  }
0xf: {  	_ =	strace $0x8FFFFFFF  }
0x10: {  	s20 =	sld [smem:$0x3FDB];
	_ =	sdelay $0x1  }
0x11: {  	s4 =	simm.s32 $_scs_section_size  }
0x12: {  	s5 =	simm.s32 $_size__tile_overlayer_lowered;
	s6 =	simm.s32 $_tile_overlayer_lowered  }
0x13: {  	s23 =	simm.s32 $0x1BFF;
	s22 =	sshll.u32 s6, $0x1;
	s3 =	sadd.s32 s4, s20  }
0x14: {  	s7 =	simm.s32 $0x0;
	s21 =	sshll.u32 s5, $0x1;
	s5 =	sadd.s32 s22, s3  }
0x15: {  	[timem:s7], [sflag:s23] =	dma.local [hbm:s5], s21  }
0x16: {  	_ =	swait.ge [sflag:s23], s21  }
0x17: {  	s4 =	ssub.s32 $0x0, s21;
	[sflag:s23] =	ssyncset.done $0x0  }
0x18: {  	[sflag:s23] =	ssyncadd.s32 s4;
	_ =	sdelay $0x1  }
0x19: {  	s24 =	simm.s32 $0x1B8B  }
0x1a: {  	_ =	swait.ge [sflag:s24], $0x1  }
0x1b: {  	[sflag:s24] =	ssyncset.done $0x0  }
0x1c: {  	s26 =	simm.s32 $0x1B8E;
	s25 =	sld [smem:$0x3FFE];
	[sflag:s24] =	ssyncadd.s32 $0xFFFFFFFF  }
0x1d: {  	s27 =	simm.s32 $execute0_lowered;
	[smem:$0x3FD2] =	sst s26  }
0x1e: {  	s5 =	sshll.u32 s27, $0x1;
	_ =	strace $0x80000049;
	[dreg:$0x1] =	wrdreg $0xFFFFFFFF  }
0x1f: {  	s28 =	simm.s32 $_size_execute0_lowered;
	s3 =	sadd.s32 s3, s5;
	[dreg:$0x0] =	wrdreg $0x0  }
0x20: {  	s5 =	sshll.u32 s28, $0x1;
	[dreg:$0x2] =	wrdreg s3  }
0x21: {  	[dreg:$0x3] =	wrdreg s5  }
0x22: {  	[dreg:$0x4] =	wrdreg $0xC0  }
0x23: {  	_ =	task [dreg:s7], $0x5FFFF  }
0x24: {  	[dreg:$0x1] =	wrdreg $0xFFFFFFFF  }
0x25: {  	[dreg:$0x0] =	wrdreg $0x60  }
0x26: {  	[dreg:$0x2] =	wrdreg s25  }
0x27: {  	[dreg:$0x3] =	wrdreg s2  }
0x28: {  	[dreg:$0x4] =	wrdreg $0x9  }
0x29: {  	_ =	task.clear_ibuf [dreg:s7], $0x5FFFF;
	_ =	strace $0x90000049  }
0x2a: {  	s29 =	simm.s32 $0x9;
	_ =	strace $0x8000004B  }
0x2b: {  	_ =	swait.ge [sflag:s29], $0x1  }
0x2c: {  	[sflag:s29] =	ssyncadd.s32 $0xFFFFFFFF  }
0x2d: {  	_ =	strace $0x9000004B  }
0x2e: {  	_ =	sfence  }
0x2f: {  	s30 =	sld [smem:$0x0];
	_ =	sdelay $0x2  }
0x30: {  	s31 =	sshll.u32 s1, $0xD;
	s1 =	sshrl.u32 s1, $0x2  }
0x31: {  	s3 =	sand.u32 $0x4000, s31;
	s1 =	sadd.s32 s1, s30  }
0x32: {  	s0 =	sor.u32 s3, s0;
	s1 =	sshll.u32 s1, $0x11  }
0x33: {  	s0 =	sor.u32 s1, s0  }
0x34: {  	s0 =	sadd.s32 $0x8F2B, s0  }
0x35: {  	[sflag:s0] =	ssyncadd.remote.s32 $0x1  }
0x36: {  	_ =	sfence.sel $0xFFFF  }
0x37: {  	[dreg:$0x0] =	wrdreg $0xFFFFFFFF;
	(pc) =	sbr.abs _section_cstart, $3  }
0x38: {  	[dreg:$0x1] =	wrdreg $0xFFFFFFFF  }
0x39: {  	_ =	task.clear_ibuf [dreg:s7], $0x2FFFF;
	_ =	strace $0x9FFFFFFF  }
0x3a: {  	(tm) =	ssettm $0x7FFFFFFF  }
0x3b: {  	_ =	shalt  }
tec
execute0_lowered:
.L_overlay_start_1:
0x0: {  	(tag) =	ssettag $0x1  }
0x1: {  	s0 =	srdreg.scid  }
0x2: {  	s1 =	sshll.u32 s0, $0x4  }
0x3: {  	s0 =	stileid.u32;
	s1 =	sand.u32 $0x10, s1  }
0x4: {  	s1 =	sor.u32 s0, s1  }
0x5: {  	s6 =	rddreg [dreg:$0x0];
	s4 =	simm.s32 $0x1;
	s2 =	sshll.u32 s1, $0x7  }
0x6: {  	s7 =	simm.s32 $0x2;
	s12 =	simm.s32 $0x0;
	s1 =	ssub.s32 $0x1000, s2  }
0x7: {  	s8 =	simm.s32 $0x8000;
	s13 =	simm.s32 $0x0;
	s3 =	sand.u32 $0xF80, s1  }
0x8: {  	s9 =	simm.s32 $0x0;
	s5 =	sshrl.u32 s1, $0xC;
	p0 =	sne.s32 s3, $0x0  }
.Ltmp0:
0x9: {  	s1 =	rddreg [dreg:$0x2];
	s4 =	simm.s32 @!p0 $0x0;
	(pc) =	sbr.rel .LBB1_1-.Ltmp0, $4  }
0xa: {  	s11 =	simm.s32 $0x0;
	s3 =	rddreg [dreg:$0x1];
	s5 =	sadd.s32 s4, s5  }
0xb: {  	_ =	strace $0x8000004A;
	s4 =	simm.s32 $0x1;
	s5 =	smul.u32 $0x32, s5  }
0xc: {  	s6 =	sadd.s32 $0x800, s6;
	s10 =	smov.u32 s2;
	[sflag:s4] =	ssyncpa.u1 $0x0  }
0xd: {  	p0 =	por $0x0, $0x0;
	[sflag:s7] =	ssyncpa.u1 $0x0;
	s7 =	sor.u32 $0x1, s5  }
.LBB1_4:
0xe: {  	s16 =	sshll.u32 s13, $0x3;
	s17 =	sand.u32 $0x78, s13  }
0xf: {  	s30 =	sand.u32 $0x7E00, s13;
	s12 =	sshll.u32 s12, $0xF;
	s16 =	sand.u32 $0xC00, s16  }
0x10: {  	[tilespmem:s15+$0x810 ss:$0x81] =	vst.msk $0xffff, v2;
	s31 =	sand.u32 $0x7, s13;
	s16 =	sor.u32 s17, s16;
	s17 =	sadd.s32 s3, s30  }
0x11: {  	[tilespmem:s15+$0x1020 ss:$0x81] =	vst.msk $0xffff, v0;
	s13 =	sshll.u32 s31, $0x12;
	s12 =	sadd.s32 s12, s17;
	s16 =	sshrl.u32 s16, $0x3  }
0x12: {  	[tilespmem:s15+$0x0 ss:$0x81] =	vst.msk $0xffff, v1;
	s13 =	sor.u32 $0x400, s13;
	s12 =	sadd.s32 s16, s12  }
0x13: {  	[hbm4b:s12+s13] =	stream.strided.scatter [tilespmem:s14], [sflag:$0x2], $0x2000, s8, s13, $0x20;
	[tilespmem:$0x8080] =	vst v63  }
.LBB1_5:
0x14: {  	s14 =	sadd.s32 $0x1, s9  }
0x15: {  	s12 =	sadd.s32 $0x1000, s10;
	s16 =	smov.u32 s10;
	p2 =	sgt.s32 s14, $0x31  }
0x16: {  	s16 =	smov.u32 @p2 s12  }
0x17: {  	s14 =	simm.s32 @p2 $0x0;
	p2 =	sgt.s32 s16, $0xFFF  }
0x18: {  	s16 =	smov.u32 @p2 s2;
	p2 =	sne.s32 s11, s7  }
.Ltmp1:
0x19: {  	p1 =	slt.u32 s11, $0x2;
	(pc) =	sbr.rel @!p2 .LBB1_6-.Ltmp1, $4  }
0x1a: {  	s15 =	simm.s32 @!p1 $0x2  }
0x1b: {  	s13 =	smov.u32 s10;
	p0 =	por !p0, !p0;
	_ =	swait.ge @!p1 [sflag:s15], $0x2000  }
0x1c: {  	s12 =	smov.u32 s9;
	[sflag:s15] =	ssyncset.done @!p1 $0x0;
	s9 =	smov.u32 s14  }
0x1d: {  	s11 =	sadd.s32 $0x1, s11;
	[sflag:s15] =	ssyncadd.s32 @!p1 $0xFFFFE000;
	s10 =	smov.u32 s16  }
.LBB1_1:
0x1e: {  	p1 =	sge.u32 s11, s5  }
0x1f: {  	s14 =	sand.u32 @!p1 $0x1FFFFFF, s9  }
0x20: {  	s15 =	smulhi.u32 @!p1 $0x4924925, s14;
	_ =	sdelay $0x1  }
0x21: {  	s15 =	smul.u32 @!p1 $0x38, s15  }
0x22: {  	s16 =	sxor.u32 @!p1 $0xFFFFFFFF, s11;
	s17 =	smul.u32 @!p1 $0x380, s10  }
0x23: {  	s31 =	sadd.s32 $0xFFFFFFFF, s11;
	s16 =	sshll.u32 @!p1 s16, $0xD;
	s14 =	ssub.s32 @!p1 s14, s15  }
0x24: {  	s15 =	sand.u32 @!p1 $0x2000, s16;
	s16 =	sadd.s32 @!p1 s6, s17;
	s14 =	sshll.u32 @!p1 s14, $0x4  }
0x25: {  	s17 =	simm.s32 @!p1 $0x1C00;
	s14 =	sadd.s32 @!p1 s14, s16;
	s16 =	simm.s32 @!p1 $0x40  }
0x26: {  	[tilespmem:s15], [sflag:$0x1] =	stream.strided.gather @!p1 [hbm4b:s14+s16], $0x2000, s17, s16, $0x38;
	[tilespmem:$0x8080] =	vst v63  }
0x27: {  	p1 =	sge.u32 s31, s5  }
.Ltmp2:
0x28: {  	_ = 	snop;
	(pc) =	sbr.rel @p1 .LBB1_5-.Ltmp2, $1  }
0x29: {  	_ =	sdelay $0x3  }
0x2a: {  	s14 =	simm.s32 $0x1  }
0x2b: {  	_ =	swait.ge [sflag:s4], $0x2000;
	s14 =	simm.s32 @!p0 $0x0  }
0x2c: {  	[sflag:s4] =	ssyncset.done $0x0;
	s15 =	sshll.u32 s14, $0xD  }
0x2d: {  	[sflag:s4] =	ssyncadd.s32 $0xFFFFE000;
	s18 =	sor.u32 $0x20, s15  }
0x2e: {  	s14 =	smul.u32 $0x8100, s14;
	v3 =	vld [tilespmem:s18+$0x10]  }
0x2f: {  	s30 =	sand.u32 $0x1, s11;
	v2 =	vld [tilespmem:s18+$0xFFFFFFF0]  }
0x30: {  	s15 =	smul.u32 $0x8100, s30;
	s14 =	sshrl.u32 s14, $0x2;
	v0 =	vld [tilespmem:s18+$0x0]  }
0x31: {  	v1 =	vld [tilespmem:s18+$0xFFFFFFE0];
	s16 =	sor.u32 $0x4000, s14  }
0x32: {  	s31 =	sshrl.u32 s15, $0x2;
	s15 =	sadd.s32 $0x0, s16  }
0x33: {  	s17 =	simm.s32 $0x4;
	s18 =	sadd.s32 $0x40, s18;
	s14 =	sor.u32 $0x4000, s31;
	[tilespmem:s15+$0x1830 ss:$0x81] =	vst.msk $0xffff, v3  }
.LBB1_3:
0x34: {  	v3 =	vld [tilespmem:s18+$0x10];
	p1 =	sne.s32 s17, $0x1FC;
	[tilespmem:s15+$0x810 ss:$0x81] =	vst.msk $0xffff, v2;
	s19 =	smov.u32 s17;
	s17 =	sadd.s32 $0x4, s17  }
.Ltmp3:
0x35: {  	v2 =	vld [tilespmem:s18+$0xFFFFFFF0];
	[tilespmem:s15+$0x1020 ss:$0x81] =	vst.msk $0xffff, v0;
	(pc) =	sbr.rel @p1 .LBB1_3-.Ltmp3, $4  }
0x36: {  	v0 =	vld [tilespmem:s18+$0x0];
	[tilespmem:s15+$0x0 ss:$0x81] =	vst.msk $0xffff, v1  }
0x37: {  	s15 =	sshra.s32 s19, $0x2;
	v1 =	vld [tilespmem:s18+$0xFFFFFFE0]  }
0x38: {  	s15 =	sadd.s32 s15, s16  }
0x39: {  	s18 =	sadd.s32 $0x40, s18;
	[tilespmem:s15+$0x1830 ss:$0x81] =	vst.msk $0xffff, v3  }
.Ltmp4:
0x3a: {  	_ = 	snop;
	(pc) =	sbr.rel .LBB1_4-.Ltmp4, $1  }
0x3b: {  	_ =	sdelay $0x3  }
.LBB1_6:
0x3c: {  	_ =	sfence.sel $0x180000  }
0x3d: {  	s2 =	simm.s32 $0x1;
	[bflag:$0x0] =	sbarrier.arrive $0xFFFF  }
0x3e: {  	s31 =	simm.s32 $0x2;
	[sflag:s2] =	ssyncpa.u1 $0x1  }
0x3f: {  	[sflag:s31] =	ssyncpa.u1 $0x1  }
0x40: {  	p0 =	sne.s32 s0, $0x0;
	_ =	strace $0x9000004A  }
0x41: {  	s0 =	sadd.s32 @!p0 $0x100000, s1;
	[bflag:$0x2] =	sbarrier.arrive $0xFFFF  }
0x42: {  	[sflag:s0] =	ssyncadd.tile.s32 @!p0 $0x1;
	_ =	shalt  }
.Lfunc_end1:
_tile_overlayer_lowered:
.L_overlay_start_2:
0x43: {  	(tag) =	ssettag $0x2  }
0x44: {  	s0 =	rddreg [dreg:$0x0];
	s2 =	stileid.u32  }
0x45: {  	s1 =	rddreg [dreg:$0x1];
	p0 =	sne.s32 s2, $0x0  }
0x46: {  	s3 =	rddreg [dreg:$0x2];
	[bflag:$0x3] =	sbarrier.arrive $0xFFFF;
	s2 =	simm.s32 @!p0 $0x1C01  }
0x47: {  	[timem:s3], [sflag:s2] =	dma.local @!p0 [hbm:s0], s1  }
0x48: {  	s0 =	simm.s32 @!p0 $0x1  }
0x49: {  	_ =	swait.ge @!p0 [sflag:s0], s1  }
0x4a: {  	s1 =	ssub.s32 @!p0 $0x0, s1;
	[sflag:s0] =	ssyncset.done @!p0 $0x0  }
0x4b: {  	[sflag:s0] =	ssyncadd.s32 @!p0 s1  }
0x4c: {  	[bflag:$0x3] =	sbarrier.arrive $0xFFFF  }
0x4d: {  	_ =	shalt  }

</sc_bundles>
